<compile_context>
chip_gen: v7x
topology: tpu7x:2x2x1
jax: 0.10.2.dev20260603
libtpu: 0.0.44.dev20260713+nightly
codegen_flags: <defaults>
</compile_context>

<pallas_src>
import functools

import jax
import jax.numpy as jnp
from jax import lax
from jax.experimental import pallas as pl
from jax.experimental.pallas import tpu as pltpu
from jax.experimental.pallas import tpu_sc as plsc

DIM = 64
RPB = 128
K = 5
NB = 2
NC = 2
NS = 16
NW = NC * NS
PACK_C = 32768


def _pack_body(t2_ref, z_ref, scr):
    t = t2_ref[...].T
    scr[:, 0:64] = t
    ev = scr[0::2, :]
    od = scr[1::2, :]
    odr = pltpu.roll(od, 64, 1)
    lane = lax.broadcasted_iota(jnp.int32, (PACK_C // 2, 128), 1)
    z_ref[...] = jnp.where(lane < 64, ev, odr)


def _pack_table(t2):
    vocab = t2.shape[1]
    return pl.pallas_call(
        _pack_body,
        grid=(pl.cdiv(vocab, PACK_C),),
        in_specs=[pl.BlockSpec((DIM, PACK_C), lambda j: (0, j))],
        out_specs=pl.BlockSpec((PACK_C // 2, 128), lambda j: (j, 0)),
        out_shape=jax.ShapeDtypeStruct((vocab // 2, 128), jnp.float32),
        scratch_shapes=[pltpu.VMEM((PACK_C, 128), jnp.float32)],
    )(t2)


XW = 131


@jax.jit
def _fmt_out(o3):
    mesh = plsc.VectorSubcoreMesh(core_axis_name="c", subcore_axis_name="s")

    @functools.partial(
        pl.kernel,
        mesh=mesh,
        out_type=jax.ShapeDtypeStruct((200 * 8 * 32 * 8 * 128,), jnp.float32),
        scratch_types=[
            pltpu.VMEM((128, 1, XW), jnp.float32),
            pltpu.VMEM((8192,), jnp.float32),
        ],
        compiler_params=pltpu.CompilerParams(use_tc_tiling_on_sc=False,
                                             needs_layout_passes=False),
    )
    def fmt_kernel(o3_hbm, f_hbm, xbuf, obuf):
        w = lax.axis_index("s") * NC + lax.axis_index("c")
        b0 = w * 128
        lane16 = lax.broadcasted_iota(jnp.int32, (16,), 0)
        zeros16 = jnp.zeros((16,), jnp.int32)

        def body(lh, carry):
            pltpu.sync_copy(o3_hbm.at[pl.ds(b0, 128), pl.ds(lh, 1), :],
                            xbuf.at[:, :, pl.ds(0, 128)])
            for h in range(2):
                def rbody(r, c2):
                    col16 = jnp.full((16,), 64 * h + r, jnp.int32)
                    for k in range(8):
                        v = plsc.load_gather(
                            xbuf, [lane16 + 16 * k, zeros16, col16])
                        obuf[pl.ds(r * 128 + 16 * k, 16)] = v
                    return c2
                lax.fori_loop(0, 64, rbody, 0)
                l_out = 2 * lh + h
                for dg in range(8):
                    pltpu.sync_copy(
                        obuf.at[pl.ds(dg * 1024, 1024)],
                        f_hbm.at[pl.ds(((l_out * 8 + dg) * 32 + w) * 1024,
                                       1024)])
            return carry

        lax.fori_loop(0, 100, body, 0)

    return fmt_kernel(o3)


@functools.partial(jax.jit, static_argnums=(2,))
def _emb_gather(idx2d, table, rows_per_w):
    nrows = idx2d.shape[0]
    steps = rows_per_w // K

    mesh = plsc.VectorSubcoreMesh(core_axis_name="c", subcore_axis_name="s")

    @functools.partial(
        pl.kernel,
        mesh=mesh,
        out_type=jax.ShapeDtypeStruct((nrows, RPB, DIM), jnp.float32),
        scratch_types=[
            pltpu.VMEM((rows_per_w, RPB), jnp.int32),
            pltpu.VMEM((NB, K, RPB, DIM), jnp.float32),
            pltpu.SemaphoreType.DMA,
            pltpu.SemaphoreType.DMA,
            pltpu.SemaphoreType.DMA,
        ],
        compiler_params=pltpu.CompilerParams(use_tc_tiling_on_sc=False),
    )
    def gather_kernel(idx_hbm, table_hbm, out_hbm, idx_v, rows_v, gsem,
                      osem0, osem1):
        wid = lax.axis_index("s") * NC + lax.axis_index("c")
        base = wid * rows_per_w
        osems = (osem0, osem1)

        pltpu.sync_copy(idx_hbm.at[pl.ds(base, rows_per_w)], idx_v)

        def fire(s, b):
            return [
                pltpu.async_copy(
                    table_hbm.at[idx_v.at[s * K + j]],
                    rows_v.at[b, j], gsem)
                for j in range(K)
            ]

        def store(s, b):
            pltpu.async_copy(rows_v.at[b], out_hbm.at[pl.ds(base + s * K, K)],
                             osems[b])

        def drain_store(b):
            pltpu.make_async_copy(
                rows_v.at[b], out_hbm.at[pl.ds(base, K)], osems[b]).wait()

        g0 = fire(0, 0)
        g1 = fire(1, 1)
        for c in g0:
            c.wait()
        store(0, 0)
        for c in g1:
            c.wait()
        store(1, 1)

        def body(i, carry):
            s0 = 2 * i
            drain_store(0)
            c0 = fire(s0, 0)
            drain_store(1)
            c1 = fire(s0 + 1, 1)
            for c in c0:
                c.wait()
            store(s0, 0)
            for c in c1:
                c.wait()
            store(s0 + 1, 1)
            return carry

        lax.fori_loop(1, steps // 2, body, 0)

        drain_store(0)
        drain_store(1)

    return gather_kernel(idx2d, table)


def kernel(tokens, emb_weight):
    b, l = tokens.shape
    n = b * l
    vocab, dim = emb_weight.shape
    nrows = n // RPB
    rows_per_w = nrows // NW
    z = _pack_table(emb_weight.T)
    table_lin = z.reshape(vocab, dim)
    idx2d = tokens.reshape(nrows, RPB)
    out = _emb_gather(idx2d, table_lin, rows_per_w)
    return out.reshape(b, l, DIM)

# --- scband reference (transcript-rebuilt; emitter-appended) ---
"""Pipeline reference for scband-emb-23270132809909 (READ-ONLY COPY).

The authoritative reference and input builder live on the scoring server;
editing this copy changes nothing except your own understanding.
"""

import jax, jax.numpy as jnp
import numpy as np

VOCAB = 1000000
DIM = 64
B = 4096
L = 200


def setup_inputs(seed: int = 0) -> dict:
    key = jax.random.key(seed)
    k1, k2 = jax.random.split(key)
    tokens = jax.random.randint(k1, (B, L), 0, VOCAB, dtype=jnp.int32)
    # kaiming_normal_ init: std = gain / sqrt(fan_in), gain = sqrt(2), fan_in = DIM
    emb_weight = jax.random.normal(k2, (VOCAB, DIM), dtype=jnp.float32) * np.sqrt(2.0 / DIM)
    return {"tokens": tokens, "emb_weight": emb_weight}


def reference(tokens, emb_weight):
    # Emb.forward with use_tree=False: x = self.emb(tokens.long())
    x = jnp.take(emb_weight, tokens, axis=0)
    return x

if __name__ == "__main__":
    import jax
    _d = setup_inputs()
    print(jax.jit(kernel)(*tuple(_d.values())))

</pallas_src>

<mosaic_0001>
#map = affine_map<(d0, d1) -> (0, 0)>
#map1 = affine_map<(d0, d1) -> (0, 0, 0)>
module attributes {stable_mosaic.version = 14 : i64} {
  func.func @gather_kernel(%arg0: i32, %arg1: i32, %arg2: memref<6400x128xi32, #tpu.memory_space<hbm>>, %arg3: memref<1000000x64xf32, #tpu.memory_space<hbm>>, %arg4: memref<6400x128x64xf32, #tpu.memory_space<hbm>>, %arg5: memref<200x128xi32, #tpu.memory_space<vmem>>, %arg6: memref<2x5x128x64xf32, #tpu.memory_space<vmem>>, %arg7: memref<!tpu.dma_semaphore, #tpu.memory_space<semaphore_mem>>, %arg8: memref<!tpu.dma_semaphore, #tpu.memory_space<semaphore_mem>>, %arg9: memref<!tpu.dma_semaphore, #tpu.memory_space<semaphore_mem>>) attributes {dimension_semantics = [#tpu.dimension_semantics<core_parallel>, #tpu.dimension_semantics<subcore_parallel>], iteration_bounds = array<i64: 2, 16>, scalar_prefetch = 0 : i64, scratch_operands = 5 : i64, tpu.core_type = #tpu.core_type<sc_vector_subcore>, window_params = [{transform_indices = #map}, {transform_indices = #map}, {transform_indices = #map1}]} {
    %mul3A = arith.constant 2 : i32
    %mul3A_0 = arith.muli %arg1, %mul3A : i32
    %add3A = arith.addi %mul3A_0, %arg0 : i32
    %mul3A_1 = arith.constant 200 : i32
    %mul3A_2 = arith.muli %add3A, %mul3A_1 : i32
    "tpu.region"() ({
      %run_scoped3A = tpu.sem_alloc : memref<!tpu.dma_semaphore, #tpu.memory_space<semaphore_mem>>
      %dma_start3A_338 = arith.constant 0 : i32
      %dma_start3A_339 = tpu.memref_slice %arg2[%mul3A_2, %dma_start3A_338] : memref<6400x128xi32, #tpu.memory_space<hbm>> -> memref<200x128xi32, #tpu.memory_space<hbm>>
      %dma_start3A_340 = arith.constant 0 : i32
      %dma_start3A_341 = tpu.memref_slice %arg2[%mul3A_2, %dma_start3A_340] : memref<6400x128xi32, #tpu.memory_space<hbm>> -> memref<200x128xi32, #tpu.memory_space<hbm>>
      tpu.enqueue_dma source(%dma_start3A_341 : memref<200x128xi32, #tpu.memory_space<hbm>>) target(%arg5 : memref<200x128xi32, #tpu.memory_space<vmem>>) target_semaphore(%run_scoped3A : memref<!tpu.dma_semaphore, #tpu.memory_space<semaphore_mem>>)
      %dma_wait3A_342 = arith.constant 0 : i32
      %dma_wait3A_343 = tpu.memref_slice %arg2[%mul3A_2, %dma_wait3A_342] : memref<6400x128xi32, #tpu.memory_space<hbm>> -> memref<200x128xi32, #tpu.memory_space<hbm>>
      %dma_wait3A_344 = arith.constant 0 : i32
      %dma_wait3A_345 = tpu.memref_slice %arg2[%mul3A_2, %dma_wait3A_344] : memref<6400x128xi32, #tpu.memory_space<hbm>> -> memref<200x128xi32, #tpu.memory_space<hbm>>
      tpu.wait_dma2 semaphore(%run_scoped3A : memref<!tpu.dma_semaphore, #tpu.memory_space<semaphore_mem>>) src(%dma_wait3A_345 : memref<200x128xi32, #tpu.memory_space<hbm>>) dst(%arg5 : memref<200x128xi32, #tpu.memory_space<vmem>>)
      tpu.yield
    }) : () -> ()
    %dma_start3A = arith.constant 0 : i32
    %dma_start3A_3 = arith.constant 0 : i32
    %dma_start3A_4 = arith.constant 0 : i32
    %dma_start3A_5 = arith.constant 0 : i32
    %dma_start3A_6 = arith.constant 0 : i32
    %dma_start3A_7 = tpu.memref_slice %arg6[%dma_start3A_3, %dma_start3A_4, %dma_start3A_5, %dma_start3A_6] : memref<2x5x128x64xf32, #tpu.memory_space<vmem>> -> memref<1x1x128x64xf32, #tpu.memory_space<vmem>>
    %dma_start3A_8 = tpu.memref_squeeze %dma_start3A_7 : memref<1x1x128x64xf32, #tpu.memory_space<vmem>> -> memref<128x64xf32, #tpu.memory_space<vmem>>
    %dma_start3A_9 = arith.constant 0 : i32
    %dma_start3A_10 = tpu.memref_slice %arg5[%dma_start3A, %dma_start3A_9] : memref<200x128xi32, #tpu.memory_space<vmem>> -> memref<1x128xi32, #tpu.memory_space<vmem>>
    %dma_start3A_11 = tpu.memref_squeeze %dma_start3A_10 : memref<1x128xi32, #tpu.memory_space<vmem>> -> memref<128xi32, #tpu.memory_space<vmem>>
    %dma_start3A_12 = arith.constant 0 : i32
    %dma_start3A_13 = arith.constant 0 : i32
    %dma_start3A_14 = tpu.memref_slice %arg3[%dma_start3A_12, %dma_start3A_13] : memref<1000000x64xf32, #tpu.memory_space<hbm>> -> memref<1000000x64xf32, #tpu.memory_space<hbm>>
    tpu.enqueue_indirect_dma source(%dma_start3A_14 : memref<1000000x64xf32, #tpu.memory_space<hbm>>) target(%dma_start3A_8 : memref<128x64xf32, #tpu.memory_space<vmem>>) offsets(%dma_start3A_11 : memref<128xi32, #tpu.memory_space<vmem>>) semaphore(%arg7 : memref<!tpu.dma_semaphore, #tpu.memory_space<semaphore_mem>>)
    %dma_start3A_15 = arith.constant 1 : i32
    %dma_start3A_16 = arith.constant 0 : i32
    %dma_start3A_17 = arith.constant 1 : i32
    %dma_start3A_18 = arith.constant 0 : i32
    %dma_start3A_19 = arith.constant 0 : i32
    %dma_start3A_20 = tpu.memref_slice %arg6[%dma_start3A_16, %dma_start3A_17, %dma_start3A_18, %dma_start3A_19] : memref<2x5x128x64xf32, #tpu.memory_space<vmem>> -> memref<1x1x128x64xf32, #tpu.memory_space<vmem>>
    %dma_start3A_21 = tpu.memref_squeeze %dma_start3A_20 : memref<1x1x128x64xf32, #tpu.memory_space<vmem>> -> memref<128x64xf32, #tpu.memory_space<vmem>>
    %dma_start3A_22 = arith.constant 0 : i32
    %dma_start3A_23 = tpu.memref_slice %arg5[%dma_start3A_15, %dma_start3A_22] : memref<200x128xi32, #tpu.memory_space<vmem>> -> memref<1x128xi32, #tpu.memory_space<vmem>>
    %dma_start3A_24 = tpu.memref_squeeze %dma_start3A_23 : memref<1x128xi32, #tpu.memory_space<vmem>> -> memref<128xi32, #tpu.memory_space<vmem>>
    %dma_start3A_25 = arith.constant 0 : i32
    %dma_start3A_26 = arith.constant 0 : i32
    %dma_start3A_27 = tpu.memref_slice %arg3[%dma_start3A_25, %dma_start3A_26] : memref<1000000x64xf32, #tpu.memory_space<hbm>> -> memref<1000000x64xf32, #tpu.memory_space<hbm>>
    tpu.enqueue_indirect_dma source(%dma_start3A_27 : memref<1000000x64xf32, #tpu.memory_space<hbm>>) target(%dma_start3A_21 : memref<128x64xf32, #tpu.memory_space<vmem>>) offsets(%dma_start3A_24 : memref<128xi32, #tpu.memory_space<vmem>>) semaphore(%arg7 : memref<!tpu.dma_semaphore, #tpu.memory_space<semaphore_mem>>)
    %dma_start3A_28 = arith.constant 2 : i32
    %dma_start3A_29 = arith.constant 0 : i32
    %dma_start3A_30 = arith.constant 2 : i32
    %dma_start3A_31 = arith.constant 0 : i32
    %dma_start3A_32 = arith.constant 0 : i32
    %dma_start3A_33 = tpu.memref_slice %arg6[%dma_start3A_29, %dma_start3A_30, %dma_start3A_31, %dma_start3A_32] : memref<2x5x128x64xf32, #tpu.memory_space<vmem>> -> memref<1x1x128x64xf32, #tpu.memory_space<vmem>>
    %dma_start3A_34 = tpu.memref_squeeze %dma_start3A_33 : memref<1x1x128x64xf32, #tpu.memory_space<vmem>> -> memref<128x64xf32, #tpu.memory_space<vmem>>
    %dma_start3A_35 = arith.constant 0 : i32
    %dma_start3A_36 = tpu.memref_slice %arg5[%dma_start3A_28, %dma_start3A_35] : memref<200x128xi32, #tpu.memory_space<vmem>> -> memref<1x128xi32, #tpu.memory_space<vmem>>
    %dma_start3A_37 = tpu.memref_squeeze %dma_start3A_36 : memref<1x128xi32, #tpu.memory_space<vmem>> -> memref<128xi32, #tpu.memory_space<vmem>>
    %dma_start3A_38 = arith.constant 0 : i32
    %dma_start3A_39 = arith.constant 0 : i32
    %dma_start3A_40 = tpu.memref_slice %arg3[%dma_start3A_38, %dma_start3A_39] : memref<1000000x64xf32, #tpu.memory_space<hbm>> -> memref<1000000x64xf32, #tpu.memory_space<hbm>>
    tpu.enqueue_indirect_dma source(%dma_start3A_40 : memref<1000000x64xf32, #tpu.memory_space<hbm>>) target(%dma_start3A_34 : memref<128x64xf32, #tpu.memory_space<vmem>>) offsets(%dma_start3A_37 : memref<128xi32, #tpu.memory_space<vmem>>) semaphore(%arg7 : memref<!tpu.dma_semaphore, #tpu.memory_space<semaphore_mem>>)
    %dma_start3A_41 = arith.constant 3 : i32
    %dma_start3A_42 = arith.constant 0 : i32
    %dma_start3A_43 = arith.constant 3 : i32
    %dma_start3A_44 = arith.constant 0 : i32
    %dma_start3A_45 = arith.constant 0 : i32
    %dma_start3A_46 = tpu.memref_slice %arg6[%dma_start3A_42, %dma_start3A_43, %dma_start3A_44, %dma_start3A_45] : memref<2x5x128x64xf32, #tpu.memory_space<vmem>> -> memref<1x1x128x64xf32, #tpu.memory_space<vmem>>
    %dma_start3A_47 = tpu.memref_squeeze %dma_start3A_46 : memref<1x1x128x64xf32, #tpu.memory_space<vmem>> -> memref<128x64xf32, #tpu.memory_space<vmem>>
    %dma_start3A_48 = arith.constant 0 : i32
    %dma_start3A_49 = tpu.memref_slice %arg5[%dma_start3A_41, %dma_start3A_48] : memref<200x128xi32, #tpu.memory_space<vmem>> -> memref<1x128xi32, #tpu.memory_space<vmem>>
    %dma_start3A_50 = tpu.memref_squeeze %dma_start3A_49 : memref<1x128xi32, #tpu.memory_space<vmem>> -> memref<128xi32, #tpu.memory_space<vmem>>
    %dma_start3A_51 = arith.constant 0 : i32
    %dma_start3A_52 = arith.constant 0 : i32
    %dma_start3A_53 = tpu.memref_slice %arg3[%dma_start3A_51, %dma_start3A_52] : memref<1000000x64xf32, #tpu.memory_space<hbm>> -> memref<1000000x64xf32, #tpu.memory_space<hbm>>
    tpu.enqueue_indirect_dma source(%dma_start3A_53 : memref<1000000x64xf32, #tpu.memory_space<hbm>>) target(%dma_start3A_47 : memref<128x64xf32, #tpu.memory_space<vmem>>) offsets(%dma_start3A_50 : memref<128xi32, #tpu.memory_space<vmem>>) semaphore(%arg7 : memref<!tpu.dma_semaphore, #tpu.memory_space<semaphore_mem>>)
    %dma_start3A_54 = arith.constant 4 : i32
    %dma_start3A_55 = arith.constant 0 : i32
    %dma_start3A_56 = arith.constant 4 : i32
    %dma_start3A_57 = arith.constant 0 : i32
    %dma_start3A_58 = arith.constant 0 : i32
    %dma_start3A_59 = tpu.memref_slice %arg6[%dma_start3A_55, %dma_start3A_56, %dma_start3A_57, %dma_start3A_58] : memref<2x5x128x64xf32, #tpu.memory_space<vmem>> -> memref<1x1x128x64xf32, #tpu.memory_space<vmem>>
    %dma_start3A_60 = tpu.memref_squeeze %dma_start3A_59 : memref<1x1x128x64xf32, #tpu.memory_space<vmem>> -> memref<128x64xf32, #tpu.memory_space<vmem>>
    %dma_start3A_61 = arith.constant 0 : i32
    %dma_start3A_62 = tpu.memref_slice %arg5[%dma_start3A_54, %dma_start3A_61] : memref<200x128xi32, #tpu.memory_space<vmem>> -> memref<1x128xi32, #tpu.memory_space<vmem>>
    %dma_start3A_63 = tpu.memref_squeeze %dma_start3A_62 : memref<1x128xi32, #tpu.memory_space<vmem>> -> memref<128xi32, #tpu.memory_space<vmem>>
    %dma_start3A_64 = arith.constant 0 : i32
    %dma_start3A_65 = arith.constant 0 : i32
    %dma_start3A_66 = tpu.memref_slice %arg3[%dma_start3A_64, %dma_start3A_65] : memref<1000000x64xf32, #tpu.memory_space<hbm>> -> memref<1000000x64xf32, #tpu.memory_space<hbm>>
    tpu.enqueue_indirect_dma source(%dma_start3A_66 : memref<1000000x64xf32, #tpu.memory_space<hbm>>) target(%dma_start3A_60 : memref<128x64xf32, #tpu.memory_space<vmem>>) offsets(%dma_start3A_63 : memref<128xi32, #tpu.memory_space<vmem>>) semaphore(%arg7 : memref<!tpu.dma_semaphore, #tpu.memory_space<semaphore_mem>>)
    %dma_start3A_67 = arith.constant 5 : i32
    %dma_start3A_68 = arith.constant 1 : i32
    %dma_start3A_69 = arith.constant 0 : i32
    %dma_start3A_70 = arith.constant 0 : i32
    %dma_start3A_71 = arith.constant 0 : i32
    %dma_start3A_72 = tpu.memref_slice %arg6[%dma_start3A_68, %dma_start3A_69, %dma_start3A_70, %dma_start3A_71] : memref<2x5x128x64xf32, #tpu.memory_space<vmem>> -> memref<1x1x128x64xf32, #tpu.memory_space<vmem>>
    %dma_start3A_73 = tpu.memref_squeeze %dma_start3A_72 : memref<1x1x128x64xf32, #tpu.memory_space<vmem>> -> memref<128x64xf32, #tpu.memory_space<vmem>>
    %dma_start3A_74 = arith.constant 0 : i32
    %dma_start3A_75 = tpu.memref_slice %arg5[%dma_start3A_67, %dma_start3A_74] : memref<200x128xi32, #tpu.memory_space<vmem>> -> memref<1x128xi32, #tpu.memory_space<vmem>>
    %dma_start3A_76 = tpu.memref_squeeze %dma_start3A_75 : memref<1x128xi32, #tpu.memory_space<vmem>> -> memref<128xi32, #tpu.memory_space<vmem>>
    %dma_start3A_77 = arith.constant 0 : i32
    %dma_start3A_78 = arith.constant 0 : i32
    %dma_start3A_79 = tpu.memref_slice %arg3[%dma_start3A_77, %dma_start3A_78] : memref<1000000x64xf32, #tpu.memory_space<hbm>> -> memref<1000000x64xf32, #tpu.memory_space<hbm>>
    tpu.enqueue_indirect_dma source(%dma_start3A_79 : memref<1000000x64xf32, #tpu.memory_space<hbm>>) target(%dma_start3A_73 : memref<128x64xf32, #tpu.memory_space<vmem>>) offsets(%dma_start3A_76 : memref<128xi32, #tpu.memory_space<vmem>>) semaphore(%arg7 : memref<!tpu.dma_semaphore, #tpu.memory_space<semaphore_mem>>)
    %dma_start3A_80 = arith.constant 6 : i32
    %dma_start3A_81 = arith.constant 1 : i32
    %dma_start3A_82 = arith.constant 1 : i32
    %dma_start3A_83 = arith.constant 0 : i32
    %dma_start3A_84 = arith.constant 0 : i32
    %dma_start3A_85 = tpu.memref_slice %arg6[%dma_start3A_81, %dma_start3A_82, %dma_start3A_83, %dma_start3A_84] : memref<2x5x128x64xf32, #tpu.memory_space<vmem>> -> memref<1x1x128x64xf32, #tpu.memory_space<vmem>>
    %dma_start3A_86 = tpu.memref_squeeze %dma_start3A_85 : memref<1x1x128x64xf32, #tpu.memory_space<vmem>> -> memref<128x64xf32, #tpu.memory_space<vmem>>
    %dma_start3A_87 = arith.constant 0 : i32
    %dma_start3A_88 = tpu.memref_slice %arg5[%dma_start3A_80, %dma_start3A_87] : memref<200x128xi32, #tpu.memory_space<vmem>> -> memref<1x128xi32, #tpu.memory_space<vmem>>
    %dma_start3A_89 = tpu.memref_squeeze %dma_start3A_88 : memref<1x128xi32, #tpu.memory_space<vmem>> -> memref<128xi32, #tpu.memory_space<vmem>>
    %dma_start3A_90 = arith.constant 0 : i32
    %dma_start3A_91 = arith.constant 0 : i32
    %dma_start3A_92 = tpu.memref_slice %arg3[%dma_start3A_90, %dma_start3A_91] : memref<1000000x64xf32, #tpu.memory_space<hbm>> -> memref<1000000x64xf32, #tpu.memory_space<hbm>>
    tpu.enqueue_indirect_dma source(%dma_start3A_92 : memref<1000000x64xf32, #tpu.memory_space<hbm>>) target(%dma_start3A_86 : memref<128x64xf32, #tpu.memory_space<vmem>>) offsets(%dma_start3A_89 : memref<128xi32, #tpu.memory_space<vmem>>) semaphore(%arg7 : memref<!tpu.dma_semaphore, #tpu.memory_space<semaphore_mem>>)
    %dma_start3A_93 = arith.constant 7 : i32
    %dma_start3A_94 = arith.constant 1 : i32
    %dma_start3A_95 = arith.constant 2 : i32
    %dma_start3A_96 = arith.constant 0 : i32
    %dma_start3A_97 = arith.constant 0 : i32
    %dma_start3A_98 = tpu.memref_slice %arg6[%dma_start3A_94, %dma_start3A_95, %dma_start3A_96, %dma_start3A_97] : memref<2x5x128x64xf32, #tpu.memory_space<vmem>> -> memref<1x1x128x64xf32, #tpu.memory_space<vmem>>
    %dma_start3A_99 = tpu.memref_squeeze %dma_start3A_98 : memref<1x1x128x64xf32, #tpu.memory_space<vmem>> -> memref<128x64xf32, #tpu.memory_space<vmem>>
    %dma_start3A_100 = arith.constant 0 : i32
    %dma_start3A_101 = tpu.memref_slice %arg5[%dma_start3A_93, %dma_start3A_100] : memref<200x128xi32, #tpu.memory_space<vmem>> -> memref<1x128xi32, #tpu.memory_space<vmem>>
    %dma_start3A_102 = tpu.memref_squeeze %dma_start3A_101 : memref<1x128xi32, #tpu.memory_space<vmem>> -> memref<128xi32, #tpu.memory_space<vmem>>
    %dma_start3A_103 = arith.constant 0 : i32
    %dma_start3A_104 = arith.constant 0 : i32
    %dma_start3A_105 = tpu.memref_slice %arg3[%dma_start3A_103, %dma_start3A_104] : memref<1000000x64xf32, #tpu.memory_space<hbm>> -> memref<1000000x64xf32, #tpu.memory_space<hbm>>
    tpu.enqueue_indirect_dma source(%dma_start3A_105 : memref<1000000x64xf32, #tpu.memory_space<hbm>>) target(%dma_start3A_99 : memref<128x64xf32, #tpu.memory_space<vmem>>) offsets(%dma_start3A_102 : memref<128xi32, #tpu.memory_space<vmem>>) semaphore(%arg7 : memref<!tpu.dma_semaphore, #tpu.memory_space<semaphore_mem>>)
    %dma_start3A_106 = arith.constant 8 : i32
    %dma_start3A_107 = arith.constant 1 : i32
    %dma_start3A_108 = arith.constant 3 : i32
    %dma_start3A_109 = arith.constant 0 : i32
    %dma_start3A_110 = arith.constant 0 : i32
    %dma_start3A_111 = tpu.memref_slice %arg6[%dma_start3A_107, %dma_start3A_108, %dma_start3A_109, %dma_start3A_110] : memref<2x5x128x64xf32, #tpu.memory_space<vmem>> -> memref<1x1x128x64xf32, #tpu.memory_space<vmem>>
    %dma_start3A_112 = tpu.memref_squeeze %dma_start3A_111 : memref<1x1x128x64xf32, #tpu.memory_space<vmem>> -> memref<128x64xf32, #tpu.memory_space<vmem>>
    %dma_start3A_113 = arith.constant 0 : i32
    %dma_start3A_114 = tpu.memref_slice %arg5[%dma_start3A_106, %dma_start3A_113] : memref<200x128xi32, #tpu.memory_space<vmem>> -> memref<1x128xi32, #tpu.memory_space<vmem>>
    %dma_start3A_115 = tpu.memref_squeeze %dma_start3A_114 : memref<1x128xi32, #tpu.memory_space<vmem>> -> memref<128xi32, #tpu.memory_space<vmem>>
    %dma_start3A_116 = arith.constant 0 : i32
    %dma_start3A_117 = arith.constant 0 : i32
    %dma_start3A_118 = tpu.memref_slice %arg3[%dma_start3A_116, %dma_start3A_117] : memref<1000000x64xf32, #tpu.memory_space<hbm>> -> memref<1000000x64xf32, #tpu.memory_space<hbm>>
    tpu.enqueue_indirect_dma source(%dma_start3A_118 : memref<1000000x64xf32, #tpu.memory_space<hbm>>) target(%dma_start3A_112 : memref<128x64xf32, #tpu.memory_space<vmem>>) offsets(%dma_start3A_115 : memref<128xi32, #tpu.memory_space<vmem>>) semaphore(%arg7 : memref<!tpu.dma_semaphore, #tpu.memory_space<semaphore_mem>>)
    %dma_start3A_119 = arith.constant 9 : i32
    %dma_start3A_120 = arith.constant 1 : i32
    %dma_start3A_121 = arith.constant 4 : i32
    %dma_start3A_122 = arith.constant 0 : i32
    %dma_start3A_123 = arith.constant 0 : i32
    %dma_start3A_124 = tpu.memref_slice %arg6[%dma_start3A_120, %dma_start3A_121, %dma_start3A_122, %dma_start3A_123] : memref<2x5x128x64xf32, #tpu.memory_space<vmem>> -> memref<1x1x128x64xf32, #tpu.memory_space<vmem>>
    %dma_start3A_125 = tpu.memref_squeeze %dma_start3A_124 : memref<1x1x128x64xf32, #tpu.memory_space<vmem>> -> memref<128x64xf32, #tpu.memory_space<vmem>>
    %dma_start3A_126 = arith.constant 0 : i32
    %dma_start3A_127 = tpu.memref_slice %arg5[%dma_start3A_119, %dma_start3A_126] : memref<200x128xi32, #tpu.memory_space<vmem>> -> memref<1x128xi32, #tpu.memory_space<vmem>>
    %dma_start3A_128 = tpu.memref_squeeze %dma_start3A_127 : memref<1x128xi32, #tpu.memory_space<vmem>> -> memref<128xi32, #tpu.memory_space<vmem>>
    %dma_start3A_129 = arith.constant 0 : i32
    %dma_start3A_130 = arith.constant 0 : i32
    %dma_start3A_131 = tpu.memref_slice %arg3[%dma_start3A_129, %dma_start3A_130] : memref<1000000x64xf32, #tpu.memory_space<hbm>> -> memref<1000000x64xf32, #tpu.memory_space<hbm>>
    tpu.enqueue_indirect_dma source(%dma_start3A_131 : memref<1000000x64xf32, #tpu.memory_space<hbm>>) target(%dma_start3A_125 : memref<128x64xf32, #tpu.memory_space<vmem>>) offsets(%dma_start3A_128 : memref<128xi32, #tpu.memory_space<vmem>>) semaphore(%arg7 : memref<!tpu.dma_semaphore, #tpu.memory_space<semaphore_mem>>)
    %dma_wait3A = arith.constant 0 : i32
    %dma_wait3A_132 = arith.constant 0 : i32
    %dma_wait3A_133 = arith.constant 0 : i32
    %dma_wait3A_134 = arith.constant 0 : i32
    %dma_wait3A_135 = arith.constant 0 : i32
    %dma_wait3A_136 = tpu.memref_slice %arg6[%dma_wait3A_132, %dma_wait3A_133, %dma_wait3A_134, %dma_wait3A_135] : memref<2x5x128x64xf32, #tpu.memory_space<vmem>> -> memref<1x1x128x64xf32, #tpu.memory_space<vmem>>
    %dma_wait3A_137 = tpu.memref_squeeze %dma_wait3A_136 : memref<1x1x128x64xf32, #tpu.memory_space<vmem>> -> memref<128x64xf32, #tpu.memory_space<vmem>>
    %dma_wait3A_138 = arith.constant 0 : i32
    %dma_wait3A_139 = tpu.memref_slice %arg5[%dma_wait3A, %dma_wait3A_138] : memref<200x128xi32, #tpu.memory_space<vmem>> -> memref<1x128xi32, #tpu.memory_space<vmem>>
    %dma_wait3A_140 = tpu.memref_squeeze %dma_wait3A_139 : memref<1x128xi32, #tpu.memory_space<vmem>> -> memref<128xi32, #tpu.memory_space<vmem>>
    %dma_wait3A_141 = arith.constant 0 : i32
    %dma_wait3A_142 = arith.constant 0 : i32
    %dma_wait3A_143 = tpu.memref_slice %arg3[%dma_wait3A_141, %dma_wait3A_142] : memref<1000000x64xf32, #tpu.memory_space<hbm>> -> memref<1000000x64xf32, #tpu.memory_space<hbm>>
    tpu.wait_indirect_dma semaphore(%arg7 : memref<!tpu.dma_semaphore, #tpu.memory_space<semaphore_mem>>) src(%dma_wait3A_143 : memref<1000000x64xf32, #tpu.memory_space<hbm>>) dst(%dma_wait3A_137 : memref<128x64xf32, #tpu.memory_space<vmem>>)
    %dma_wait3A_144 = arith.constant 1 : i32
    %dma_wait3A_145 = arith.constant 0 : i32
    %dma_wait3A_146 = arith.constant 1 : i32
    %dma_wait3A_147 = arith.constant 0 : i32
    %dma_wait3A_148 = arith.constant 0 : i32
    %dma_wait3A_149 = tpu.memref_slice %arg6[%dma_wait3A_145, %dma_wait3A_146, %dma_wait3A_147, %dma_wait3A_148] : memref<2x5x128x64xf32, #tpu.memory_space<vmem>> -> memref<1x1x128x64xf32, #tpu.memory_space<vmem>>
    %dma_wait3A_150 = tpu.memref_squeeze %dma_wait3A_149 : memref<1x1x128x64xf32, #tpu.memory_space<vmem>> -> memref<128x64xf32, #tpu.memory_space<vmem>>
    %dma_wait3A_151 = arith.constant 0 : i32
    %dma_wait3A_152 = tpu.memref_slice %arg5[%dma_wait3A_144, %dma_wait3A_151] : memref<200x128xi32, #tpu.memory_space<vmem>> -> memref<1x128xi32, #tpu.memory_space<vmem>>
    %dma_wait3A_153 = tpu.memref_squeeze %dma_wait3A_152 : memref<1x128xi32, #tpu.memory_space<vmem>> -> memref<128xi32, #tpu.memory_space<vmem>>
    %dma_wait3A_154 = arith.constant 0 : i32
    %dma_wait3A_155 = arith.constant 0 : i32
    %dma_wait3A_156 = tpu.memref_slice %arg3[%dma_wait3A_154, %dma_wait3A_155] : memref<1000000x64xf32, #tpu.memory_space<hbm>> -> memref<1000000x64xf32, #tpu.memory_space<hbm>>
    tpu.wait_indirect_dma semaphore(%arg7 : memref<!tpu.dma_semaphore, #tpu.memory_space<semaphore_mem>>) src(%dma_wait3A_156 : memref<1000000x64xf32, #tpu.memory_space<hbm>>) dst(%dma_wait3A_150 : memref<128x64xf32, #tpu.memory_space<vmem>>)
    %dma_wait3A_157 = arith.constant 2 : i32
    %dma_wait3A_158 = arith.constant 0 : i32
    %dma_wait3A_159 = arith.constant 2 : i32
    %dma_wait3A_160 = arith.constant 0 : i32
    %dma_wait3A_161 = arith.constant 0 : i32
    %dma_wait3A_162 = tpu.memref_slice %arg6[%dma_wait3A_158, %dma_wait3A_159, %dma_wait3A_160, %dma_wait3A_161] : memref<2x5x128x64xf32, #tpu.memory_space<vmem>> -> memref<1x1x128x64xf32, #tpu.memory_space<vmem>>
    %dma_wait3A_163 = tpu.memref_squeeze %dma_wait3A_162 : memref<1x1x128x64xf32, #tpu.memory_space<vmem>> -> memref<128x64xf32, #tpu.memory_space<vmem>>
    %dma_wait3A_164 = arith.constant 0 : i32
    %dma_wait3A_165 = tpu.memref_slice %arg5[%dma_wait3A_157, %dma_wait3A_164] : memref<200x128xi32, #tpu.memory_space<vmem>> -> memref<1x128xi32, #tpu.memory_space<vmem>>
    %dma_wait3A_166 = tpu.memref_squeeze %dma_wait3A_165 : memref<1x128xi32, #tpu.memory_space<vmem>> -> memref<128xi32, #tpu.memory_space<vmem>>
    %dma_wait3A_167 = arith.constant 0 : i32
    %dma_wait3A_168 = arith.constant 0 : i32
    %dma_wait3A_169 = tpu.memref_slice %arg3[%dma_wait3A_167, %dma_wait3A_168] : memref<1000000x64xf32, #tpu.memory_space<hbm>> -> memref<1000000x64xf32, #tpu.memory_space<hbm>>
    tpu.wait_indirect_dma semaphore(%arg7 : memref<!tpu.dma_semaphore, #tpu.memory_space<semaphore_mem>>) src(%dma_wait3A_169 : memref<1000000x64xf32, #tpu.memory_space<hbm>>) dst(%dma_wait3A_163 : memref<128x64xf32, #tpu.memory_space<vmem>>)
    %dma_wait3A_170 = arith.constant 3 : i32
    %dma_wait3A_171 = arith.constant 0 : i32
    %dma_wait3A_172 = arith.constant 3 : i32
    %dma_wait3A_173 = arith.constant 0 : i32
    %dma_wait3A_174 = arith.constant 0 : i32
    %dma_wait3A_175 = tpu.memref_slice %arg6[%dma_wait3A_171, %dma_wait3A_172, %dma_wait3A_173, %dma_wait3A_174] : memref<2x5x128x64xf32, #tpu.memory_space<vmem>> -> memref<1x1x128x64xf32, #tpu.memory_space<vmem>>
    %dma_wait3A_176 = tpu.memref_squeeze %dma_wait3A_175 : memref<1x1x128x64xf32, #tpu.memory_space<vmem>> -> memref<128x64xf32, #tpu.memory_space<vmem>>
    %dma_wait3A_177 = arith.constant 0 : i32
    %dma_wait3A_178 = tpu.memref_slice %arg5[%dma_wait3A_170, %dma_wait3A_177] : memref<200x128xi32, #tpu.memory_space<vmem>> -> memref<1x128xi32, #tpu.memory_space<vmem>>
    %dma_wait3A_179 = tpu.memref_squeeze %dma_wait3A_178 : memref<1x128xi32, #tpu.memory_space<vmem>> -> memref<128xi32, #tpu.memory_space<vmem>>
    %dma_wait3A_180 = arith.constant 0 : i32
    %dma_wait3A_181 = arith.constant 0 : i32
    %dma_wait3A_182 = tpu.memref_slice %arg3[%dma_wait3A_180, %dma_wait3A_181] : memref<1000000x64xf32, #tpu.memory_space<hbm>> -> memref<1000000x64xf32, #tpu.memory_space<hbm>>
    tpu.wait_indirect_dma semaphore(%arg7 : memref<!tpu.dma_semaphore, #tpu.memory_space<semaphore_mem>>) src(%dma_wait3A_182 : memref<1000000x64xf32, #tpu.memory_space<hbm>>) dst(%dma_wait3A_176 : memref<128x64xf32, #tpu.memory_space<vmem>>)
    %dma_wait3A_183 = arith.constant 4 : i32
    %dma_wait3A_184 = arith.constant 0 : i32
    %dma_wait3A_185 = arith.constant 4 : i32
    %dma_wait3A_186 = arith.constant 0 : i32
    %dma_wait3A_187 = arith.constant 0 : i32
    %dma_wait3A_188 = tpu.memref_slice %arg6[%dma_wait3A_184, %dma_wait3A_185, %dma_wait3A_186, %dma_wait3A_187] : memref<2x5x128x64xf32, #tpu.memory_space<vmem>> -> memref<1x1x128x64xf32, #tpu.memory_space<vmem>>
    %dma_wait3A_189 = tpu.memref_squeeze %dma_wait3A_188 : memref<1x1x128x64xf32, #tpu.memory_space<vmem>> -> memref<128x64xf32, #tpu.memory_space<vmem>>
    %dma_wait3A_190 = arith.constant 0 : i32
    %dma_wait3A_191 = tpu.memref_slice %arg5[%dma_wait3A_183, %dma_wait3A_190] : memref<200x128xi32, #tpu.memory_space<vmem>> -> memref<1x128xi32, #tpu.memory_space<vmem>>
    %dma_wait3A_192 = tpu.memref_squeeze %dma_wait3A_191 : memref<1x128xi32, #tpu.memory_space<vmem>> -> memref<128xi32, #tpu.memory_space<vmem>>
    %dma_wait3A_193 = arith.constant 0 : i32
    %dma_wait3A_194 = arith.constant 0 : i32
    %dma_wait3A_195 = tpu.memref_slice %arg3[%dma_wait3A_193, %dma_wait3A_194] : memref<1000000x64xf32, #tpu.memory_space<hbm>> -> memref<1000000x64xf32, #tpu.memory_space<hbm>>
    tpu.wait_indirect_dma semaphore(%arg7 : memref<!tpu.dma_semaphore, #tpu.memory_space<semaphore_mem>>) src(%dma_wait3A_195 : memref<1000000x64xf32, #tpu.memory_space<hbm>>) dst(%dma_wait3A_189 : memref<128x64xf32, #tpu.memory_space<vmem>>)
    %add3A_196 = arith.constant 0 : i32
    %add3A_197 = arith.addi %mul3A_2, %add3A_196 : i32
    %dma_start3A_198 = arith.constant 0 : i32
    %dma_start3A_199 = arith.constant 0 : i32
    %dma_start3A_200 = arith.constant 0 : i32
    %dma_start3A_201 = arith.constant 0 : i32
    %dma_start3A_202 = tpu.memref_slice %arg6[%dma_start3A_198, %dma_start3A_199, %dma_start3A_200, %dma_start3A_201] : memref<2x5x128x64xf32, #tpu.memory_space<vmem>> -> memref<1x5x128x64xf32, #tpu.memory_space<vmem>>
    %dma_start3A_203 = tpu.memref_squeeze %dma_start3A_202 : memref<1x5x128x64xf32, #tpu.memory_space<vmem>> -> memref<5x128x64xf32, #tpu.memory_space<vmem>>
    %dma_start3A_204 = arith.constant 0 : i32
    %dma_start3A_205 = arith.constant 0 : i32
    %dma_start3A_206 = tpu.memref_slice %arg4[%add3A_197, %dma_start3A_204, %dma_start3A_205] : memref<6400x128x64xf32, #tpu.memory_space<hbm>> -> memref<5x128x64xf32, #tpu.memory_space<hbm>>
    %dma_start3A_207 = arith.constant 0 : i32
    %dma_start3A_208 = arith.constant 0 : i32
    %dma_start3A_209 = tpu.memref_slice %arg4[%add3A_197, %dma_start3A_207, %dma_start3A_208] : memref<6400x128x64xf32, #tpu.memory_space<hbm>> -> memref<5x128x64xf32, #tpu.memory_space<hbm>>
    %dma_start3A_210 = arith.constant 0 : i32
    %dma_start3A_211 = arith.constant 0 : i32
    %dma_start3A_212 = arith.constant 0 : i32
    %dma_start3A_213 = tpu.memref_slice %arg6[%dma_start3A_198, %dma_start3A_210, %dma_start3A_211, %dma_start3A_212] : memref<2x5x128x64xf32, #tpu.memory_space<vmem>> -> memref<1x5x128x64xf32, #tpu.memory_space<vmem>>
    %dma_start3A_214 = tpu.memref_squeeze %dma_start3A_213 : memref<1x5x128x64xf32, #tpu.memory_space<vmem>> -> memref<5x128x64xf32, #tpu.memory_space<vmem>>
    tpu.enqueue_dma source(%dma_start3A_214 : memref<5x128x64xf32, #tpu.memory_space<vmem>>) target(%dma_start3A_209 : memref<5x128x64xf32, #tpu.memory_space<hbm>>) target_semaphore(%arg8 : memref<!tpu.dma_semaphore, #tpu.memory_space<semaphore_mem>>)
    %dma_wait3A_215 = arith.constant 5 : i32
    %dma_wait3A_216 = arith.constant 1 : i32
    %dma_wait3A_217 = arith.constant 0 : i32
    %dma_wait3A_218 = arith.constant 0 : i32
    %dma_wait3A_219 = arith.constant 0 : i32
    %dma_wait3A_220 = tpu.memref_slice %arg6[%dma_wait3A_216, %dma_wait3A_217, %dma_wait3A_218, %dma_wait3A_219] : memref<2x5x128x64xf32, #tpu.memory_space<vmem>> -> memref<1x1x128x64xf32, #tpu.memory_space<vmem>>
    %dma_wait3A_221 = tpu.memref_squeeze %dma_wait3A_220 : memref<1x1x128x64xf32, #tpu.memory_space<vmem>> -> memref<128x64xf32, #tpu.memory_space<vmem>>
    %dma_wait3A_222 = arith.constant 0 : i32
    %dma_wait3A_223 = tpu.memref_slice %arg5[%dma_wait3A_215, %dma_wait3A_222] : memref<200x128xi32, #tpu.memory_space<vmem>> -> memref<1x128xi32, #tpu.memory_space<vmem>>
    %dma_wait3A_224 = tpu.memref_squeeze %dma_wait3A_223 : memref<1x128xi32, #tpu.memory_space<vmem>> -> memref<128xi32, #tpu.memory_space<vmem>>
    %dma_wait3A_225 = arith.constant 0 : i32
    %dma_wait3A_226 = arith.constant 0 : i32
    %dma_wait3A_227 = tpu.memref_slice %arg3[%dma_wait3A_225, %dma_wait3A_226] : memref<1000000x64xf32, #tpu.memory_space<hbm>> -> memref<1000000x64xf32, #tpu.memory_space<hbm>>
    tpu.wait_indirect_dma semaphore(%arg7 : memref<!tpu.dma_semaphore, #tpu.memory_space<semaphore_mem>>) src(%dma_wait3A_227 : memref<1000000x64xf32, #tpu.memory_space<hbm>>) dst(%dma_wait3A_221 : memref<128x64xf32, #tpu.memory_space<vmem>>)
    %dma_wait3A_228 = arith.constant 6 : i32
    %dma_wait3A_229 = arith.constant 1 : i32
    %dma_wait3A_230 = arith.constant 1 : i32
    %dma_wait3A_231 = arith.constant 0 : i32
    %dma_wait3A_232 = arith.constant 0 : i32
    %dma_wait3A_233 = tpu.memref_slice %arg6[%dma_wait3A_229, %dma_wait3A_230, %dma_wait3A_231, %dma_wait3A_232] : memref<2x5x128x64xf32, #tpu.memory_space<vmem>> -> memref<1x1x128x64xf32, #tpu.memory_space<vmem>>
    %dma_wait3A_234 = tpu.memref_squeeze %dma_wait3A_233 : memref<1x1x128x64xf32, #tpu.memory_space<vmem>> -> memref<128x64xf32, #tpu.memory_space<vmem>>
    %dma_wait3A_235 = arith.constant 0 : i32
    %dma_wait3A_236 = tpu.memref_slice %arg5[%dma_wait3A_228, %dma_wait3A_235] : memref<200x128xi32, #tpu.memory_space<vmem>> -> memref<1x128xi32, #tpu.memory_space<vmem>>
    %dma_wait3A_237 = tpu.memref_squeeze %dma_wait3A_236 : memref<1x128xi32, #tpu.memory_space<vmem>> -> memref<128xi32, #tpu.memory_space<vmem>>
    %dma_wait3A_238 = arith.constant 0 : i32
    %dma_wait3A_239 = arith.constant 0 : i32
    %dma_wait3A_240 = tpu.memref_slice %arg3[%dma_wait3A_238, %dma_wait3A_239] : memref<1000000x64xf32, #tpu.memory_space<hbm>> -> memref<1000000x64xf32, #tpu.memory_space<hbm>>
    tpu.wait_indirect_dma semaphore(%arg7 : memref<!tpu.dma_semaphore, #tpu.memory_space<semaphore_mem>>) src(%dma_wait3A_240 : memref<1000000x64xf32, #tpu.memory_space<hbm>>) dst(%dma_wait3A_234 : memref<128x64xf32, #tpu.memory_space<vmem>>)
    %dma_wait3A_241 = arith.constant 7 : i32
    %dma_wait3A_242 = arith.constant 1 : i32
    %dma_wait3A_243 = arith.constant 2 : i32
    %dma_wait3A_244 = arith.constant 0 : i32
    %dma_wait3A_245 = arith.constant 0 : i32
    %dma_wait3A_246 = tpu.memref_slice %arg6[%dma_wait3A_242, %dma_wait3A_243, %dma_wait3A_244, %dma_wait3A_245] : memref<2x5x128x64xf32, #tpu.memory_space<vmem>> -> memref<1x1x128x64xf32, #tpu.memory_space<vmem>>
    %dma_wait3A_247 = tpu.memref_squeeze %dma_wait3A_246 : memref<1x1x128x64xf32, #tpu.memory_space<vmem>> -> memref<128x64xf32, #tpu.memory_space<vmem>>
    %dma_wait3A_248 = arith.constant 0 : i32
    %dma_wait3A_249 = tpu.memref_slice %arg5[%dma_wait3A_241, %dma_wait3A_248] : memref<200x128xi32, #tpu.memory_space<vmem>> -> memref<1x128xi32, #tpu.memory_space<vmem>>
    %dma_wait3A_250 = tpu.memref_squeeze %dma_wait3A_249 : memref<1x128xi32, #tpu.memory_space<vmem>> -> memref<128xi32, #tpu.memory_space<vmem>>
    %dma_wait3A_251 = arith.constant 0 : i32
    %dma_wait3A_252 = arith.constant 0 : i32
    %dma_wait3A_253 = tpu.memref_slice %arg3[%dma_wait3A_251, %dma_wait3A_252] : memref<1000000x64xf32, #tpu.memory_space<hbm>> -> memref<1000000x64xf32, #tpu.memory_space<hbm>>
    tpu.wait_indirect_dma semaphore(%arg7 : memref<!tpu.dma_semaphore, #tpu.memory_space<semaphore_mem>>) src(%dma_wait3A_253 : memref<1000000x64xf32, #tpu.memory_space<hbm>>) dst(%dma_wait3A_247 : memref<128x64xf32, #tpu.memory_space<vmem>>)
    %dma_wait3A_254 = arith.constant 8 : i32
    %dma_wait3A_255 = arith.constant 1 : i32
    %dma_wait3A_256 = arith.constant 3 : i32
    %dma_wait3A_257 = arith.constant 0 : i32
    %dma_wait3A_258 = arith.constant 0 : i32
    %dma_wait3A_259 = tpu.memref_slice %arg6[%dma_wait3A_255, %dma_wait3A_256, %dma_wait3A_257, %dma_wait3A_258] : memref<2x5x128x64xf32, #tpu.memory_space<vmem>> -> memref<1x1x128x64xf32, #tpu.memory_space<vmem>>
    %dma_wait3A_260 = tpu.memref_squeeze %dma_wait3A_259 : memref<1x1x128x64xf32, #tpu.memory_space<vmem>> -> memref<128x64xf32, #tpu.memory_space<vmem>>
    %dma_wait3A_261 = arith.constant 0 : i32
    %dma_wait3A_262 = tpu.memref_slice %arg5[%dma_wait3A_254, %dma_wait3A_261] : memref<200x128xi32, #tpu.memory_space<vmem>> -> memref<1x128xi32, #tpu.memory_space<vmem>>
    %dma_wait3A_263 = tpu.memref_squeeze %dma_wait3A_262 : memref<1x128xi32, #tpu.memory_space<vmem>> -> memref<128xi32, #tpu.memory_space<vmem>>
    %dma_wait3A_264 = arith.constant 0 : i32
    %dma_wait3A_265 = arith.constant 0 : i32
    %dma_wait3A_266 = tpu.memref_slice %arg3[%dma_wait3A_264, %dma_wait3A_265] : memref<1000000x64xf32, #tpu.memory_space<hbm>> -> memref<1000000x64xf32, #tpu.memory_space<hbm>>
    tpu.wait_indirect_dma semaphore(%arg7 : memref<!tpu.dma_semaphore, #tpu.memory_space<semaphore_mem>>) src(%dma_wait3A_266 : memref<1000000x64xf32, #tpu.memory_space<hbm>>) dst(%dma_wait3A_260 : memref<128x64xf32, #tpu.memory_space<vmem>>)
    %dma_wait3A_267 = arith.constant 9 : i32
    %dma_wait3A_268 = arith.constant 1 : i32
    %dma_wait3A_269 = arith.constant 4 : i32
    %dma_wait3A_270 = arith.constant 0 : i32
    %dma_wait3A_271 = arith.constant 0 : i32
    %dma_wait3A_272 = tpu.memref_slice %arg6[%dma_wait3A_268, %dma_wait3A_269, %dma_wait3A_270, %dma_wait3A_271] : memref<2x5x128x64xf32, #tpu.memory_space<vmem>> -> memref<1x1x128x64xf32, #tpu.memory_space<vmem>>
    %dma_wait3A_273 = tpu.memref_squeeze %dma_wait3A_272 : memref<1x1x128x64xf32, #tpu.memory_space<vmem>> -> memref<128x64xf32, #tpu.memory_space<vmem>>
    %dma_wait3A_274 = arith.constant 0 : i32
    %dma_wait3A_275 = tpu.memref_slice %arg5[%dma_wait3A_267, %dma_wait3A_274] : memref<200x128xi32, #tpu.memory_space<vmem>> -> memref<1x128xi32, #tpu.memory_space<vmem>>
    %dma_wait3A_276 = tpu.memref_squeeze %dma_wait3A_275 : memref<1x128xi32, #tpu.memory_space<vmem>> -> memref<128xi32, #tpu.memory_space<vmem>>
    %dma_wait3A_277 = arith.constant 0 : i32
    %dma_wait3A_278 = arith.constant 0 : i32
    %dma_wait3A_279 = tpu.memref_slice %arg3[%dma_wait3A_277, %dma_wait3A_278] : memref<1000000x64xf32, #tpu.memory_space<hbm>> -> memref<1000000x64xf32, #tpu.memory_space<hbm>>
    tpu.wait_indirect_dma semaphore(%arg7 : memref<!tpu.dma_semaphore, #tpu.memory_space<semaphore_mem>>) src(%dma_wait3A_279 : memref<1000000x64xf32, #tpu.memory_space<hbm>>) dst(%dma_wait3A_273 : memref<128x64xf32, #tpu.memory_space<vmem>>)
    %add3A_280 = arith.constant 5 : i32
    %add3A_281 = arith.addi %mul3A_2, %add3A_280 : i32
    %dma_start3A_282 = arith.constant 1 : i32
    %dma_start3A_283 = arith.constant 0 : i32
    %dma_start3A_284 = arith.constant 0 : i32
    %dma_start3A_285 = arith.constant 0 : i32
    %dma_start3A_286 = tpu.memref_slice %arg6[%dma_start3A_282, %dma_start3A_283, %dma_start3A_284, %dma_start3A_285] : memref<2x5x128x64xf32, #tpu.memory_space<vmem>> -> memref<1x5x128x64xf32, #tpu.memory_space<vmem>>
    %dma_start3A_287 = tpu.memref_squeeze %dma_start3A_286 : memref<1x5x128x64xf32, #tpu.memory_space<vmem>> -> memref<5x128x64xf32, #tpu.memory_space<vmem>>
    %dma_start3A_288 = arith.constant 0 : i32
    %dma_start3A_289 = arith.constant 0 : i32
    %dma_start3A_290 = tpu.memref_slice %arg4[%add3A_281, %dma_start3A_288, %dma_start3A_289] : memref<6400x128x64xf32, #tpu.memory_space<hbm>> -> memref<5x128x64xf32, #tpu.memory_space<hbm>>
    %dma_start3A_291 = arith.constant 0 : i32
    %dma_start3A_292 = arith.constant 0 : i32
    %dma_start3A_293 = tpu.memref_slice %arg4[%add3A_281, %dma_start3A_291, %dma_start3A_292] : memref<6400x128x64xf32, #tpu.memory_space<hbm>> -> memref<5x128x64xf32, #tpu.memory_space<hbm>>
    %dma_start3A_294 = arith.constant 0 : i32
    %dma_start3A_295 = arith.constant 0 : i32
    %dma_start3A_296 = arith.constant 0 : i32
    %dma_start3A_297 = tpu.memref_slice %arg6[%dma_start3A_282, %dma_start3A_294, %dma_start3A_295, %dma_start3A_296] : memref<2x5x128x64xf32, #tpu.memory_space<vmem>> -> memref<1x5x128x64xf32, #tpu.memory_space<vmem>>
    %dma_start3A_298 = tpu.memref_squeeze %dma_start3A_297 : memref<1x5x128x64xf32, #tpu.memory_space<vmem>> -> memref<5x128x64xf32, #tpu.memory_space<vmem>>
    tpu.enqueue_dma source(%dma_start3A_298 : memref<5x128x64xf32, #tpu.memory_space<vmem>>) target(%dma_start3A_293 : memref<5x128x64xf32, #tpu.memory_space<hbm>>) target_semaphore(%arg9 : memref<!tpu.dma_semaphore, #tpu.memory_space<semaphore_mem>>)
    %scan3A = arith.constant 0 : i32
    %scan3A_299 = arith.constant 1 : i32
    %scan3A_300 = arith.constant 19 : i32
    %scan3A_301 = arith.addi %scan3A_299, %scan3A_300 : i32
    %scan3A_302 = arith.constant 1 : i32
    scf.for %scan3A_338 = %scan3A_299 to %scan3A_301 step %scan3A_302  : i32 {
      %mul3A_339 = arith.constant 2 : i32
      %mul3A_340 = arith.muli %mul3A_339, %scan3A_338 : i32
      %dma_wait3A_341 = arith.constant 0 : i32
      %dma_wait3A_342 = arith.constant 0 : i32
      %dma_wait3A_343 = arith.constant 0 : i32
      %dma_wait3A_344 = arith.constant 0 : i32
      %dma_wait3A_345 = tpu.memref_slice %arg6[%dma_wait3A_341, %dma_wait3A_342, %dma_wait3A_343, %dma_wait3A_344] : memref<2x5x128x64xf32, #tpu.memory_space<vmem>> -> memref<1x5x128x64xf32, #tpu.memory_space<vmem>>
      %dma_wait3A_346 = tpu.memref_squeeze %dma_wait3A_345 : memref<1x5x128x64xf32, #tpu.memory_space<vmem>> -> memref<5x128x64xf32, #tpu.memory_space<vmem>>
      %dma_wait3A_347 = arith.constant 0 : i32
      %dma_wait3A_348 = arith.constant 0 : i32
      %dma_wait3A_349 = tpu.memref_slice %arg4[%mul3A_2, %dma_wait3A_347, %dma_wait3A_348] : memref<6400x128x64xf32, #tpu.memory_space<hbm>> -> memref<5x128x64xf32, #tpu.memory_space<hbm>>
      %dma_wait3A_350 = arith.constant 0 : i32
      %dma_wait3A_351 = arith.constant 0 : i32
      %dma_wait3A_352 = tpu.memref_slice %arg4[%mul3A_2, %dma_wait3A_350, %dma_wait3A_351] : memref<6400x128x64xf32, #tpu.memory_space<hbm>> -> memref<5x128x64xf32, #tpu.memory_space<hbm>>
      %dma_wait3A_353 = arith.constant 0 : i32
      %dma_wait3A_354 = arith.constant 0 : i32
      %dma_wait3A_355 = arith.constant 0 : i32
      %dma_wait3A_356 = tpu.memref_slice %arg6[%dma_wait3A_341, %dma_wait3A_353, %dma_wait3A_354, %dma_wait3A_355] : memref<2x5x128x64xf32, #tpu.memory_space<vmem>> -> memref<1x5x128x64xf32, #tpu.memory_space<vmem>>
      %dma_wait3A_357 = tpu.memref_squeeze %dma_wait3A_356 : memref<1x5x128x64xf32, #tpu.memory_space<vmem>> -> memref<5x128x64xf32, #tpu.memory_space<vmem>>
      tpu.wait_dma2 semaphore(%arg8 : memref<!tpu.dma_semaphore, #tpu.memory_space<semaphore_mem>>) src(%dma_wait3A_357 : memref<5x128x64xf32, #tpu.memory_space<vmem>>) dst(%dma_wait3A_352 : memref<5x128x64xf32, #tpu.memory_space<hbm>>)
      %mul3A_358 = arith.constant 5 : i32
      %mul3A_359 = arith.muli %mul3A_340, %mul3A_358 : i32
      %add3A_360 = arith.constant 0 : i32
      %add3A_361 = arith.addi %mul3A_359, %add3A_360 : i32
      %dma_start3A_362 = arith.constant 0 : i32
      %dma_start3A_363 = arith.constant 0 : i32
      %dma_start3A_364 = arith.constant 0 : i32
      %dma_start3A_365 = arith.constant 0 : i32
      %dma_start3A_366 = tpu.memref_slice %arg6[%dma_start3A_362, %dma_start3A_363, %dma_start3A_364, %dma_start3A_365] : memref<2x5x128x64xf32, #tpu.memory_space<vmem>> -> memref<1x1x128x64xf32, #tpu.memory_space<vmem>>
      %dma_start3A_367 = tpu.memref_squeeze %dma_start3A_366 : memref<1x1x128x64xf32, #tpu.memory_space<vmem>> -> memref<128x64xf32, #tpu.memory_space<vmem>>
      %dma_start3A_368 = arith.constant 0 : i32
      %dma_start3A_369 = tpu.memref_slice %arg5[%add3A_361, %dma_start3A_368] : memref<200x128xi32, #tpu.memory_space<vmem>> -> memref<1x128xi32, #tpu.memory_space<vmem>>
      %dma_start3A_370 = tpu.memref_squeeze %dma_start3A_369 : memref<1x128xi32, #tpu.memory_space<vmem>> -> memref<128xi32, #tpu.memory_space<vmem>>
      %dma_start3A_371 = arith.constant 0 : i32
      %dma_start3A_372 = arith.constant 0 : i32
      %dma_start3A_373 = tpu.memref_slice %arg3[%dma_start3A_371, %dma_start3A_372] : memref<1000000x64xf32, #tpu.memory_space<hbm>> -> memref<1000000x64xf32, #tpu.memory_space<hbm>>
      tpu.enqueue_indirect_dma source(%dma_start3A_373 : memref<1000000x64xf32, #tpu.memory_space<hbm>>) target(%dma_start3A_367 : memref<128x64xf32, #tpu.memory_space<vmem>>) offsets(%dma_start3A_370 : memref<128xi32, #tpu.memory_space<vmem>>) semaphore(%arg7 : memref<!tpu.dma_semaphore, #tpu.memory_space<semaphore_mem>>)
      %mul3A_374 = arith.constant 5 : i32
      %mul3A_375 = arith.muli %mul3A_340, %mul3A_374 : i32
      %add3A_376 = arith.constant 1 : i32
      %add3A_377 = arith.addi %mul3A_375, %add3A_376 : i32
      %dma_start3A_378 = arith.constant 0 : i32
      %dma_start3A_379 = arith.constant 1 : i32
      %dma_start3A_380 = arith.constant 0 : i32
      %dma_start3A_381 = arith.constant 0 : i32
      %dma_start3A_382 = tpu.memref_slice %arg6[%dma_start3A_378, %dma_start3A_379, %dma_start3A_380, %dma_start3A_381] : memref<2x5x128x64xf32, #tpu.memory_space<vmem>> -> memref<1x1x128x64xf32, #tpu.memory_space<vmem>>
      %dma_start3A_383 = tpu.memref_squeeze %dma_start3A_382 : memref<1x1x128x64xf32, #tpu.memory_space<vmem>> -> memref<128x64xf32, #tpu.memory_space<vmem>>
      %dma_start3A_384 = arith.constant 0 : i32
      %dma_start3A_385 = tpu.memref_slice %arg5[%add3A_377, %dma_start3A_384] : memref<200x128xi32, #tpu.memory_space<vmem>> -> memref<1x128xi32, #tpu.memory_space<vmem>>
      %dma_start3A_386 = tpu.memref_squeeze %dma_start3A_385 : memref<1x128xi32, #tpu.memory_space<vmem>> -> memref<128xi32, #tpu.memory_space<vmem>>
      %dma_start3A_387 = arith.constant 0 : i32
      %dma_start3A_388 = arith.constant 0 : i32
      %dma_start3A_389 = tpu.memref_slice %arg3[%dma_start3A_387, %dma_start3A_388] : memref<1000000x64xf32, #tpu.memory_space<hbm>> -> memref<1000000x64xf32, #tpu.memory_space<hbm>>
      tpu.enqueue_indirect_dma source(%dma_start3A_389 : memref<1000000x64xf32, #tpu.memory_space<hbm>>) target(%dma_start3A_383 : memref<128x64xf32, #tpu.memory_space<vmem>>) offsets(%dma_start3A_386 : memref<128xi32, #tpu.memory_space<vmem>>) semaphore(%arg7 : memref<!tpu.dma_semaphore, #tpu.memory_space<semaphore_mem>>)
      %mul3A_390 = arith.constant 5 : i32
      %mul3A_391 = arith.muli %mul3A_340, %mul3A_390 : i32
      %add3A_392 = arith.constant 2 : i32
      %add3A_393 = arith.addi %mul3A_391, %add3A_392 : i32
      %dma_start3A_394 = arith.constant 0 : i32
      %dma_start3A_395 = arith.constant 2 : i32
      %dma_start3A_396 = arith.constant 0 : i32
      %dma_start3A_397 = arith.constant 0 : i32
      %dma_start3A_398 = tpu.memref_slice %arg6[%dma_start3A_394, %dma_start3A_395, %dma_start3A_396, %dma_start3A_397] : memref<2x5x128x64xf32, #tpu.memory_space<vmem>> -> memref<1x1x128x64xf32, #tpu.memory_space<vmem>>
      %dma_start3A_399 = tpu.memref_squeeze %dma_start3A_398 : memref<1x1x128x64xf32, #tpu.memory_space<vmem>> -> memref<128x64xf32, #tpu.memory_space<vmem>>
      %dma_start3A_400 = arith.constant 0 : i32
      %dma_start3A_401 = tpu.memref_slice %arg5[%add3A_393, %dma_start3A_400] : memref<200x128xi32, #tpu.memory_space<vmem>> -> memref<1x128xi32, #tpu.memory_space<vmem>>
      %dma_start3A_402 = tpu.memref_squeeze %dma_start3A_401 : memref<1x128xi32, #tpu.memory_space<vmem>> -> memref<128xi32, #tpu.memory_space<vmem>>
      %dma_start3A_403 = arith.constant 0 : i32
      %dma_start3A_404 = arith.constant 0 : i32
      %dma_start3A_405 = tpu.memref_slice %arg3[%dma_start3A_403, %dma_start3A_404] : memref<1000000x64xf32, #tpu.memory_space<hbm>> -> memref<1000000x64xf32, #tpu.memory_space<hbm>>
      tpu.enqueue_indirect_dma source(%dma_start3A_405 : memref<1000000x64xf32, #tpu.memory_space<hbm>>) target(%dma_start3A_399 : memref<128x64xf32, #tpu.memory_space<vmem>>) offsets(%dma_start3A_402 : memref<128xi32, #tpu.memory_space<vmem>>) semaphore(%arg7 : memref<!tpu.dma_semaphore, #tpu.memory_space<semaphore_mem>>)
      %mul3A_406 = arith.constant 5 : i32
      %mul3A_407 = arith.muli %mul3A_340, %mul3A_406 : i32
      %add3A_408 = arith.constant 3 : i32
      %add3A_409 = arith.addi %mul3A_407, %add3A_408 : i32
      %dma_start3A_410 = arith.constant 0 : i32
      %dma_start3A_411 = arith.constant 3 : i32
      %dma_start3A_412 = arith.constant 0 : i32
      %dma_start3A_413 = arith.constant 0 : i32
      %dma_start3A_414 = tpu.memref_slice %arg6[%dma_start3A_410, %dma_start3A_411, %dma_start3A_412, %dma_start3A_413] : memref<2x5x128x64xf32, #tpu.memory_space<vmem>> -> memref<1x1x128x64xf32, #tpu.memory_space<vmem>>
      %dma_start3A_415 = tpu.memref_squeeze %dma_start3A_414 : memref<1x1x128x64xf32, #tpu.memory_space<vmem>> -> memref<128x64xf32, #tpu.memory_space<vmem>>
      %dma_start3A_416 = arith.constant 0 : i32
      %dma_start3A_417 = tpu.memref_slice %arg5[%add3A_409, %dma_start3A_416] : memref<200x128xi32, #tpu.memory_space<vmem>> -> memref<1x128xi32, #tpu.memory_space<vmem>>
      %dma_start3A_418 = tpu.memref_squeeze %dma_start3A_417 : memref<1x128xi32, #tpu.memory_space<vmem>> -> memref<128xi32, #tpu.memory_space<vmem>>
      %dma_start3A_419 = arith.constant 0 : i32
      %dma_start3A_420 = arith.constant 0 : i32
      %dma_start3A_421 = tpu.memref_slice %arg3[%dma_start3A_419, %dma_start3A_420] : memref<1000000x64xf32, #tpu.memory_space<hbm>> -> memref<1000000x64xf32, #tpu.memory_space<hbm>>
      tpu.enqueue_indirect_dma source(%dma_start3A_421 : memref<1000000x64xf32, #tpu.memory_space<hbm>>) target(%dma_start3A_415 : memref<128x64xf32, #tpu.memory_space<vmem>>) offsets(%dma_start3A_418 : memref<128xi32, #tpu.memory_space<vmem>>) semaphore(%arg7 : memref<!tpu.dma_semaphore, #tpu.memory_space<semaphore_mem>>)
      %mul3A_422 = arith.constant 5 : i32
      %mul3A_423 = arith.muli %mul3A_340, %mul3A_422 : i32
      %add3A_424 = arith.constant 4 : i32
      %add3A_425 = arith.addi %mul3A_423, %add3A_424 : i32
      %dma_start3A_426 = arith.constant 0 : i32
      %dma_start3A_427 = arith.constant 4 : i32
      %dma_start3A_428 = arith.constant 0 : i32
      %dma_start3A_429 = arith.constant 0 : i32
      %dma_start3A_430 = tpu.memref_slice %arg6[%dma_start3A_426, %dma_start3A_427, %dma_start3A_428, %dma_start3A_429] : memref<2x5x128x64xf32, #tpu.memory_space<vmem>> -> memref<1x1x128x64xf32, #tpu.memory_space<vmem>>
      %dma_start3A_431 = tpu.memref_squeeze %dma_start3A_430 : memref<1x1x128x64xf32, #tpu.memory_space<vmem>> -> memref<128x64xf32, #tpu.memory_space<vmem>>
      %dma_start3A_432 = arith.constant 0 : i32
      %dma_start3A_433 = tpu.memref_slice %arg5[%add3A_425, %dma_start3A_432] : memref<200x128xi32, #tpu.memory_space<vmem>> -> memref<1x128xi32, #tpu.memory_space<vmem>>
      %dma_start3A_434 = tpu.memref_squeeze %dma_start3A_433 : memref<1x128xi32, #tpu.memory_space<vmem>> -> memref<128xi32, #tpu.memory_space<vmem>>
      %dma_start3A_435 = arith.constant 0 : i32
      %dma_start3A_436 = arith.constant 0 : i32
      %dma_start3A_437 = tpu.memref_slice %arg3[%dma_start3A_435, %dma_start3A_436] : memref<1000000x64xf32, #tpu.memory_space<hbm>> -> memref<1000000x64xf32, #tpu.memory_space<hbm>>
      tpu.enqueue_indirect_dma source(%dma_start3A_437 : memref<1000000x64xf32, #tpu.memory_space<hbm>>) target(%dma_start3A_431 : memref<128x64xf32, #tpu.memory_space<vmem>>) offsets(%dma_start3A_434 : memref<128xi32, #tpu.memory_space<vmem>>) semaphore(%arg7 : memref<!tpu.dma_semaphore, #tpu.memory_space<semaphore_mem>>)
      %dma_wait3A_438 = arith.constant 1 : i32
      %dma_wait3A_439 = arith.constant 0 : i32
      %dma_wait3A_440 = arith.constant 0 : i32
      %dma_wait3A_441 = arith.constant 0 : i32
      %dma_wait3A_442 = tpu.memref_slice %arg6[%dma_wait3A_438, %dma_wait3A_439, %dma_wait3A_440, %dma_wait3A_441] : memref<2x5x128x64xf32, #tpu.memory_space<vmem>> -> memref<1x5x128x64xf32, #tpu.memory_space<vmem>>
      %dma_wait3A_443 = tpu.memref_squeeze %dma_wait3A_442 : memref<1x5x128x64xf32, #tpu.memory_space<vmem>> -> memref<5x128x64xf32, #tpu.memory_space<vmem>>
      %dma_wait3A_444 = arith.constant 0 : i32
      %dma_wait3A_445 = arith.constant 0 : i32
      %dma_wait3A_446 = tpu.memref_slice %arg4[%mul3A_2, %dma_wait3A_444, %dma_wait3A_445] : memref<6400x128x64xf32, #tpu.memory_space<hbm>> -> memref<5x128x64xf32, #tpu.memory_space<hbm>>
      %dma_wait3A_447 = arith.constant 0 : i32
      %dma_wait3A_448 = arith.constant 0 : i32
      %dma_wait3A_449 = tpu.memref_slice %arg4[%mul3A_2, %dma_wait3A_447, %dma_wait3A_448] : memref<6400x128x64xf32, #tpu.memory_space<hbm>> -> memref<5x128x64xf32, #tpu.memory_space<hbm>>
      %dma_wait3A_450 = arith.constant 0 : i32
      %dma_wait3A_451 = arith.constant 0 : i32
      %dma_wait3A_452 = arith.constant 0 : i32
      %dma_wait3A_453 = tpu.memref_slice %arg6[%dma_wait3A_438, %dma_wait3A_450, %dma_wait3A_451, %dma_wait3A_452] : memref<2x5x128x64xf32, #tpu.memory_space<vmem>> -> memref<1x5x128x64xf32, #tpu.memory_space<vmem>>
      %dma_wait3A_454 = tpu.memref_squeeze %dma_wait3A_453 : memref<1x5x128x64xf32, #tpu.memory_space<vmem>> -> memref<5x128x64xf32, #tpu.memory_space<vmem>>
      tpu.wait_dma2 semaphore(%arg9 : memref<!tpu.dma_semaphore, #tpu.memory_space<semaphore_mem>>) src(%dma_wait3A_454 : memref<5x128x64xf32, #tpu.memory_space<vmem>>) dst(%dma_wait3A_449 : memref<5x128x64xf32, #tpu.memory_space<hbm>>)
      %add3A_455 = arith.constant 1 : i32
      %add3A_456 = arith.addi %mul3A_340, %add3A_455 : i32
      %mul3A_457 = arith.constant 5 : i32
      %mul3A_458 = arith.muli %add3A_456, %mul3A_457 : i32
      %add3A_459 = arith.constant 0 : i32
      %add3A_460 = arith.addi %mul3A_458, %add3A_459 : i32
      %dma_start3A_461 = arith.constant 1 : i32
      %dma_start3A_462 = arith.constant 0 : i32
      %dma_start3A_463 = arith.constant 0 : i32
      %dma_start3A_464 = arith.constant 0 : i32
      %dma_start3A_465 = tpu.memref_slice %arg6[%dma_start3A_461, %dma_start3A_462, %dma_start3A_463, %dma_start3A_464] : memref<2x5x128x64xf32, #tpu.memory_space<vmem>> -> memref<1x1x128x64xf32, #tpu.memory_space<vmem>>
      %dma_start3A_466 = tpu.memref_squeeze %dma_start3A_465 : memref<1x1x128x64xf32, #tpu.memory_space<vmem>> -> memref<128x64xf32, #tpu.memory_space<vmem>>
      %dma_start3A_467 = arith.constant 0 : i32
      %dma_start3A_468 = tpu.memref_slice %arg5[%add3A_460, %dma_start3A_467] : memref<200x128xi32, #tpu.memory_space<vmem>> -> memref<1x128xi32, #tpu.memory_space<vmem>>
      %dma_start3A_469 = tpu.memref_squeeze %dma_start3A_468 : memref<1x128xi32, #tpu.memory_space<vmem>> -> memref<128xi32, #tpu.memory_space<vmem>>
      %dma_start3A_470 = arith.constant 0 : i32
      %dma_start3A_471 = arith.constant 0 : i32
      %dma_start3A_472 = tpu.memref_slice %arg3[%dma_start3A_470, %dma_start3A_471] : memref<1000000x64xf32, #tpu.memory_space<hbm>> -> memref<1000000x64xf32, #tpu.memory_space<hbm>>
      tpu.enqueue_indirect_dma source(%dma_start3A_472 : memref<1000000x64xf32, #tpu.memory_space<hbm>>) target(%dma_start3A_466 : memref<128x64xf32, #tpu.memory_space<vmem>>) offsets(%dma_start3A_469 : memref<128xi32, #tpu.memory_space<vmem>>) semaphore(%arg7 : memref<!tpu.dma_semaphore, #tpu.memory_space<semaphore_mem>>)
      %mul3A_473 = arith.constant 5 : i32
      %mul3A_474 = arith.muli %add3A_456, %mul3A_473 : i32
      %add3A_475 = arith.constant 1 : i32
      %add3A_476 = arith.addi %mul3A_474, %add3A_475 : i32
      %dma_start3A_477 = arith.constant 1 : i32
      %dma_start3A_478 = arith.constant 1 : i32
      %dma_start3A_479 = arith.constant 0 : i32
      %dma_start3A_480 = arith.constant 0 : i32
      %dma_start3A_481 = tpu.memref_slice %arg6[%dma_start3A_477, %dma_start3A_478, %dma_start3A_479, %dma_start3A_480] : memref<2x5x128x64xf32, #tpu.memory_space<vmem>> -> memref<1x1x128x64xf32, #tpu.memory_space<vmem>>
      %dma_start3A_482 = tpu.memref_squeeze %dma_start3A_481 : memref<1x1x128x64xf32, #tpu.memory_space<vmem>> -> memref<128x64xf32, #tpu.memory_space<vmem>>
      %dma_start3A_483 = arith.constant 0 : i32
      %dma_start3A_484 = tpu.memref_slice %arg5[%add3A_476, %dma_start3A_483] : memref<200x128xi32, #tpu.memory_space<vmem>> -> memref<1x128xi32, #tpu.memory_space<vmem>>
      %dma_start3A_485 = tpu.memref_squeeze %dma_start3A_484 : memref<1x128xi32, #tpu.memory_space<vmem>> -> memref<128xi32, #tpu.memory_space<vmem>>
      %dma_start3A_486 = arith.constant 0 : i32
      %dma_start3A_487 = arith.constant 0 : i32
      %dma_start3A_488 = tpu.memref_slice %arg3[%dma_start3A_486, %dma_start3A_487] : memref<1000000x64xf32, #tpu.memory_space<hbm>> -> memref<1000000x64xf32, #tpu.memory_space<hbm>>
      tpu.enqueue_indirect_dma source(%dma_start3A_488 : memref<1000000x64xf32, #tpu.memory_space<hbm>>) target(%dma_start3A_482 : memref<128x64xf32, #tpu.memory_space<vmem>>) offsets(%dma_start3A_485 : memref<128xi32, #tpu.memory_space<vmem>>) semaphore(%arg7 : memref<!tpu.dma_semaphore, #tpu.memory_space<semaphore_mem>>)
      %mul3A_489 = arith.constant 5 : i32
      %mul3A_490 = arith.muli %add3A_456, %mul3A_489 : i32
      %add3A_491 = arith.constant 2 : i32
      %add3A_492 = arith.addi %mul3A_490, %add3A_491 : i32
      %dma_start3A_493 = arith.constant 1 : i32
      %dma_start3A_494 = arith.constant 2 : i32
      %dma_start3A_495 = arith.constant 0 : i32
      %dma_start3A_496 = arith.constant 0 : i32
      %dma_start3A_497 = tpu.memref_slice %arg6[%dma_start3A_493, %dma_start3A_494, %dma_start3A_495, %dma_start3A_496] : memref<2x5x128x64xf32, #tpu.memory_space<vmem>> -> memref<1x1x128x64xf32, #tpu.memory_space<vmem>>
      %dma_start3A_498 = tpu.memref_squeeze %dma_start3A_497 : memref<1x1x128x64xf32, #tpu.memory_space<vmem>> -> memref<128x64xf32, #tpu.memory_space<vmem>>
      %dma_start3A_499 = arith.constant 0 : i32
      %dma_start3A_500 = tpu.memref_slice %arg5[%add3A_492, %dma_start3A_499] : memref<200x128xi32, #tpu.memory_space<vmem>> -> memref<1x128xi32, #tpu.memory_space<vmem>>
      %dma_start3A_501 = tpu.memref_squeeze %dma_start3A_500 : memref<1x128xi32, #tpu.memory_space<vmem>> -> memref<128xi32, #tpu.memory_space<vmem>>
      %dma_start3A_502 = arith.constant 0 : i32
      %dma_start3A_503 = arith.constant 0 : i32
      %dma_start3A_504 = tpu.memref_slice %arg3[%dma_start3A_502, %dma_start3A_503] : memref<1000000x64xf32, #tpu.memory_space<hbm>> -> memref<1000000x64xf32, #tpu.memory_space<hbm>>
      tpu.enqueue_indirect_dma source(%dma_start3A_504 : memref<1000000x64xf32, #tpu.memory_space<hbm>>) target(%dma_start3A_498 : memref<128x64xf32, #tpu.memory_space<vmem>>) offsets(%dma_start3A_501 : memref<128xi32, #tpu.memory_space<vmem>>) semaphore(%arg7 : memref<!tpu.dma_semaphore, #tpu.memory_space<semaphore_mem>>)
      %mul3A_505 = arith.constant 5 : i32
      %mul3A_506 = arith.muli %add3A_456, %mul3A_505 : i32
      %add3A_507 = arith.constant 3 : i32
      %add3A_508 = arith.addi %mul3A_506, %add3A_507 : i32
      %dma_start3A_509 = arith.constant 1 : i32
      %dma_start3A_510 = arith.constant 3 : i32
      %dma_start3A_511 = arith.constant 0 : i32
      %dma_start3A_512 = arith.constant 0 : i32
      %dma_start3A_513 = tpu.memref_slice %arg6[%dma_start3A_509, %dma_start3A_510, %dma_start3A_511, %dma_start3A_512] : memref<2x5x128x64xf32, #tpu.memory_space<vmem>> -> memref<1x1x128x64xf32, #tpu.memory_space<vmem>>
      %dma_start3A_514 = tpu.memref_squeeze %dma_start3A_513 : memref<1x1x128x64xf32, #tpu.memory_space<vmem>> -> memref<128x64xf32, #tpu.memory_space<vmem>>
      %dma_start3A_515 = arith.constant 0 : i32
      %dma_start3A_516 = tpu.memref_slice %arg5[%add3A_508, %dma_start3A_515] : memref<200x128xi32, #tpu.memory_space<vmem>> -> memref<1x128xi32, #tpu.memory_space<vmem>>
      %dma_start3A_517 = tpu.memref_squeeze %dma_start3A_516 : memref<1x128xi32, #tpu.memory_space<vmem>> -> memref<128xi32, #tpu.memory_space<vmem>>
      %dma_start3A_518 = arith.constant 0 : i32
      %dma_start3A_519 = arith.constant 0 : i32
      %dma_start3A_520 = tpu.memref_slice %arg3[%dma_start3A_518, %dma_start3A_519] : memref<1000000x64xf32, #tpu.memory_space<hbm>> -> memref<1000000x64xf32, #tpu.memory_space<hbm>>
      tpu.enqueue_indirect_dma source(%dma_start3A_520 : memref<1000000x64xf32, #tpu.memory_space<hbm>>) target(%dma_start3A_514 : memref<128x64xf32, #tpu.memory_space<vmem>>) offsets(%dma_start3A_517 : memref<128xi32, #tpu.memory_space<vmem>>) semaphore(%arg7 : memref<!tpu.dma_semaphore, #tpu.memory_space<semaphore_mem>>)
      %mul3A_521 = arith.constant 5 : i32
      %mul3A_522 = arith.muli %add3A_456, %mul3A_521 : i32
      %add3A_523 = arith.constant 4 : i32
      %add3A_524 = arith.addi %mul3A_522, %add3A_523 : i32
      %dma_start3A_525 = arith.constant 1 : i32
      %dma_start3A_526 = arith.constant 4 : i32
      %dma_start3A_527 = arith.constant 0 : i32
      %dma_start3A_528 = arith.constant 0 : i32
      %dma_start3A_529 = tpu.memref_slice %arg6[%dma_start3A_525, %dma_start3A_526, %dma_start3A_527, %dma_start3A_528] : memref<2x5x128x64xf32, #tpu.memory_space<vmem>> -> memref<1x1x128x64xf32, #tpu.memory_space<vmem>>
      %dma_start3A_530 = tpu.memref_squeeze %dma_start3A_529 : memref<1x1x128x64xf32, #tpu.memory_space<vmem>> -> memref<128x64xf32, #tpu.memory_space<vmem>>
      %dma_start3A_531 = arith.constant 0 : i32
      %dma_start3A_532 = tpu.memref_slice %arg5[%add3A_524, %dma_start3A_531] : memref<200x128xi32, #tpu.memory_space<vmem>> -> memref<1x128xi32, #tpu.memory_space<vmem>>
      %dma_start3A_533 = tpu.memref_squeeze %dma_start3A_532 : memref<1x128xi32, #tpu.memory_space<vmem>> -> memref<128xi32, #tpu.memory_space<vmem>>
      %dma_start3A_534 = arith.constant 0 : i32
      %dma_start3A_535 = arith.constant 0 : i32
      %dma_start3A_536 = tpu.memref_slice %arg3[%dma_start3A_534, %dma_start3A_535] : memref<1000000x64xf32, #tpu.memory_space<hbm>> -> memref<1000000x64xf32, #tpu.memory_space<hbm>>
      tpu.enqueue_indirect_dma source(%dma_start3A_536 : memref<1000000x64xf32, #tpu.memory_space<hbm>>) target(%dma_start3A_530 : memref<128x64xf32, #tpu.memory_space<vmem>>) offsets(%dma_start3A_533 : memref<128xi32, #tpu.memory_space<vmem>>) semaphore(%arg7 : memref<!tpu.dma_semaphore, #tpu.memory_space<semaphore_mem>>)
      %dma_wait3A_537 = arith.constant 0 : i32
      %dma_wait3A_538 = arith.constant 0 : i32
      %dma_wait3A_539 = arith.constant 0 : i32
      %dma_wait3A_540 = arith.constant 0 : i32
      %dma_wait3A_541 = tpu.memref_slice %arg6[%dma_wait3A_537, %dma_wait3A_538, %dma_wait3A_539, %dma_wait3A_540] : memref<2x5x128x64xf32, #tpu.memory_space<vmem>> -> memref<1x1x128x64xf32, #tpu.memory_space<vmem>>
      %dma_wait3A_542 = tpu.memref_squeeze %dma_wait3A_541 : memref<1x1x128x64xf32, #tpu.memory_space<vmem>> -> memref<128x64xf32, #tpu.memory_space<vmem>>
      %dma_wait3A_543 = arith.constant 0 : i32
      %dma_wait3A_544 = tpu.memref_slice %arg5[%add3A_361, %dma_wait3A_543] : memref<200x128xi32, #tpu.memory_space<vmem>> -> memref<1x128xi32, #tpu.memory_space<vmem>>
      %dma_wait3A_545 = tpu.memref_squeeze %dma_wait3A_544 : memref<1x128xi32, #tpu.memory_space<vmem>> -> memref<128xi32, #tpu.memory_space<vmem>>
      %dma_wait3A_546 = arith.constant 0 : i32
      %dma_wait3A_547 = arith.constant 0 : i32
      %dma_wait3A_548 = tpu.memref_slice %arg3[%dma_wait3A_546, %dma_wait3A_547] : memref<1000000x64xf32, #tpu.memory_space<hbm>> -> memref<1000000x64xf32, #tpu.memory_space<hbm>>
      tpu.wait_indirect_dma semaphore(%arg7 : memref<!tpu.dma_semaphore, #tpu.memory_space<semaphore_mem>>) src(%dma_wait3A_548 : memref<1000000x64xf32, #tpu.memory_space<hbm>>) dst(%dma_wait3A_542 : memref<128x64xf32, #tpu.memory_space<vmem>>)
      %dma_wait3A_549 = arith.constant 0 : i32
      %dma_wait3A_550 = arith.constant 1 : i32
      %dma_wait3A_551 = arith.constant 0 : i32
      %dma_wait3A_552 = arith.constant 0 : i32
      %dma_wait3A_553 = tpu.memref_slice %arg6[%dma_wait3A_549, %dma_wait3A_550, %dma_wait3A_551, %dma_wait3A_552] : memref<2x5x128x64xf32, #tpu.memory_space<vmem>> -> memref<1x1x128x64xf32, #tpu.memory_space<vmem>>
      %dma_wait3A_554 = tpu.memref_squeeze %dma_wait3A_553 : memref<1x1x128x64xf32, #tpu.memory_space<vmem>> -> memref<128x64xf32, #tpu.memory_space<vmem>>
      %dma_wait3A_555 = arith.constant 0 : i32
      %dma_wait3A_556 = tpu.memref_slice %arg5[%add3A_377, %dma_wait3A_555] : memref<200x128xi32, #tpu.memory_space<vmem>> -> memref<1x128xi32, #tpu.memory_space<vmem>>
      %dma_wait3A_557 = tpu.memref_squeeze %dma_wait3A_556 : memref<1x128xi32, #tpu.memory_space<vmem>> -> memref<128xi32, #tpu.memory_space<vmem>>
      %dma_wait3A_558 = arith.constant 0 : i32
      %dma_wait3A_559 = arith.constant 0 : i32
      %dma_wait3A_560 = tpu.memref_slice %arg3[%dma_wait3A_558, %dma_wait3A_559] : memref<1000000x64xf32, #tpu.memory_space<hbm>> -> memref<1000000x64xf32, #tpu.memory_space<hbm>>
      tpu.wait_indirect_dma semaphore(%arg7 : memref<!tpu.dma_semaphore, #tpu.memory_space<semaphore_mem>>) src(%dma_wait3A_560 : memref<1000000x64xf32, #tpu.memory_space<hbm>>) dst(%dma_wait3A_554 : memref<128x64xf32, #tpu.memory_space<vmem>>)
      %dma_wait3A_561 = arith.constant 0 : i32
      %dma_wait3A_562 = arith.constant 2 : i32
      %dma_wait3A_563 = arith.constant 0 : i32
      %dma_wait3A_564 = arith.constant 0 : i32
      %dma_wait3A_565 = tpu.memref_slice %arg6[%dma_wait3A_561, %dma_wait3A_562, %dma_wait3A_563, %dma_wait3A_564] : memref<2x5x128x64xf32, #tpu.memory_space<vmem>> -> memref<1x1x128x64xf32, #tpu.memory_space<vmem>>
      %dma_wait3A_566 = tpu.memref_squeeze %dma_wait3A_565 : memref<1x1x128x64xf32, #tpu.memory_space<vmem>> -> memref<128x64xf32, #tpu.memory_space<vmem>>
      %dma_wait3A_567 = arith.constant 0 : i32
      %dma_wait3A_568 = tpu.memref_slice %arg5[%add3A_393, %dma_wait3A_567] : memref<200x128xi32, #tpu.memory_space<vmem>> -> memref<1x128xi32, #tpu.memory_space<vmem>>
      %dma_wait3A_569 = tpu.memref_squeeze %dma_wait3A_568 : memref<1x128xi32, #tpu.memory_space<vmem>> -> memref<128xi32, #tpu.memory_space<vmem>>
      %dma_wait3A_570 = arith.constant 0 : i32
      %dma_wait3A_571 = arith.constant 0 : i32
      %dma_wait3A_572 = tpu.memref_slice %arg3[%dma_wait3A_570, %dma_wait3A_571] : memref<1000000x64xf32, #tpu.memory_space<hbm>> -> memref<1000000x64xf32, #tpu.memory_space<hbm>>
      tpu.wait_indirect_dma semaphore(%arg7 : memref<!tpu.dma_semaphore, #tpu.memory_space<semaphore_mem>>) src(%dma_wait3A_572 : memref<1000000x64xf32, #tpu.memory_space<hbm>>) dst(%dma_wait3A_566 : memref<128x64xf32, #tpu.memory_space<vmem>>)
      %dma_wait3A_573 = arith.constant 0 : i32
      %dma_wait3A_574 = arith.constant 3 : i32
      %dma_wait3A_575 = arith.constant 0 : i32
      %dma_wait3A_576 = arith.constant 0 : i32
      %dma_wait3A_577 = tpu.memref_slice %arg6[%dma_wait3A_573, %dma_wait3A_574, %dma_wait3A_575, %dma_wait3A_576] : memref<2x5x128x64xf32, #tpu.memory_space<vmem>> -> memref<1x1x128x64xf32, #tpu.memory_space<vmem>>
      %dma_wait3A_578 = tpu.memref_squeeze %dma_wait3A_577 : memref<1x1x128x64xf32, #tpu.memory_space<vmem>> -> memref<128x64xf32, #tpu.memory_space<vmem>>
      %dma_wait3A_579 = arith.constant 0 : i32
      %dma_wait3A_580 = tpu.memref_slice %arg5[%add3A_409, %dma_wait3A_579] : memref<200x128xi32, #tpu.memory_space<vmem>> -> memref<1x128xi32, #tpu.memory_space<vmem>>
      %dma_wait3A_581 = tpu.memref_squeeze %dma_wait3A_580 : memref<1x128xi32, #tpu.memory_space<vmem>> -> memref<128xi32, #tpu.memory_space<vmem>>
      %dma_wait3A_582 = arith.constant 0 : i32
      %dma_wait3A_583 = arith.constant 0 : i32
      %dma_wait3A_584 = tpu.memref_slice %arg3[%dma_wait3A_582, %dma_wait3A_583] : memref<1000000x64xf32, #tpu.memory_space<hbm>> -> memref<1000000x64xf32, #tpu.memory_space<hbm>>
      tpu.wait_indirect_dma semaphore(%arg7 : memref<!tpu.dma_semaphore, #tpu.memory_space<semaphore_mem>>) src(%dma_wait3A_584 : memref<1000000x64xf32, #tpu.memory_space<hbm>>) dst(%dma_wait3A_578 : memref<128x64xf32, #tpu.memory_space<vmem>>)
      %dma_wait3A_585 = arith.constant 0 : i32
      %dma_wait3A_586 = arith.constant 4 : i32
      %dma_wait3A_587 = arith.constant 0 : i32
      %dma_wait3A_588 = arith.constant 0 : i32
      %dma_wait3A_589 = tpu.memref_slice %arg6[%dma_wait3A_585, %dma_wait3A_586, %dma_wait3A_587, %dma_wait3A_588] : memref<2x5x128x64xf32, #tpu.memory_space<vmem>> -> memref<1x1x128x64xf32, #tpu.memory_space<vmem>>
      %dma_wait3A_590 = tpu.memref_squeeze %dma_wait3A_589 : memref<1x1x128x64xf32, #tpu.memory_space<vmem>> -> memref<128x64xf32, #tpu.memory_space<vmem>>
      %dma_wait3A_591 = arith.constant 0 : i32
      %dma_wait3A_592 = tpu.memref_slice %arg5[%add3A_425, %dma_wait3A_591] : memref<200x128xi32, #tpu.memory_space<vmem>> -> memref<1x128xi32, #tpu.memory_space<vmem>>
      %dma_wait3A_593 = tpu.memref_squeeze %dma_wait3A_592 : memref<1x128xi32, #tpu.memory_space<vmem>> -> memref<128xi32, #tpu.memory_space<vmem>>
      %dma_wait3A_594 = arith.constant 0 : i32
      %dma_wait3A_595 = arith.constant 0 : i32
      %dma_wait3A_596 = tpu.memref_slice %arg3[%dma_wait3A_594, %dma_wait3A_595] : memref<1000000x64xf32, #tpu.memory_space<hbm>> -> memref<1000000x64xf32, #tpu.memory_space<hbm>>
      tpu.wait_indirect_dma semaphore(%arg7 : memref<!tpu.dma_semaphore, #tpu.memory_space<semaphore_mem>>) src(%dma_wait3A_596 : memref<1000000x64xf32, #tpu.memory_space<hbm>>) dst(%dma_wait3A_590 : memref<128x64xf32, #tpu.memory_space<vmem>>)
      %mul3A_597 = arith.constant 5 : i32
      %mul3A_598 = arith.muli %mul3A_340, %mul3A_597 : i32
      %add3A_599 = arith.addi %mul3A_2, %mul3A_598 : i32
      %dma_start3A_600 = arith.constant 0 : i32
      %dma_start3A_601 = arith.constant 0 : i32
      %dma_start3A_602 = arith.constant 0 : i32
      %dma_start3A_603 = arith.constant 0 : i32
      %dma_start3A_604 = tpu.memref_slice %arg6[%dma_start3A_600, %dma_start3A_601, %dma_start3A_602, %dma_start3A_603] : memref<2x5x128x64xf32, #tpu.memory_space<vmem>> -> memref<1x5x128x64xf32, #tpu.memory_space<vmem>>
      %dma_start3A_605 = tpu.memref_squeeze %dma_start3A_604 : memref<1x5x128x64xf32, #tpu.memory_space<vmem>> -> memref<5x128x64xf32, #tpu.memory_space<vmem>>
      %dma_start3A_606 = arith.constant 0 : i32
      %dma_start3A_607 = arith.constant 0 : i32
      %dma_start3A_608 = tpu.memref_slice %arg4[%add3A_599, %dma_start3A_606, %dma_start3A_607] : memref<6400x128x64xf32, #tpu.memory_space<hbm>> -> memref<5x128x64xf32, #tpu.memory_space<hbm>>
      %dma_start3A_609 = arith.constant 0 : i32
      %dma_start3A_610 = arith.constant 0 : i32
      %dma_start3A_611 = tpu.memref_slice %arg4[%add3A_599, %dma_start3A_609, %dma_start3A_610] : memref<6400x128x64xf32, #tpu.memory_space<hbm>> -> memref<5x128x64xf32, #tpu.memory_space<hbm>>
      %dma_start3A_612 = arith.constant 0 : i32
      %dma_start3A_613 = arith.constant 0 : i32
      %dma_start3A_614 = arith.constant 0 : i32
      %dma_start3A_615 = tpu.memref_slice %arg6[%dma_start3A_600, %dma_start3A_612, %dma_start3A_613, %dma_start3A_614] : memref<2x5x128x64xf32, #tpu.memory_space<vmem>> -> memref<1x5x128x64xf32, #tpu.memory_space<vmem>>
      %dma_start3A_616 = tpu.memref_squeeze %dma_start3A_615 : memref<1x5x128x64xf32, #tpu.memory_space<vmem>> -> memref<5x128x64xf32, #tpu.memory_space<vmem>>
      tpu.enqueue_dma source(%dma_start3A_616 : memref<5x128x64xf32, #tpu.memory_space<vmem>>) target(%dma_start3A_611 : memref<5x128x64xf32, #tpu.memory_space<hbm>>) target_semaphore(%arg8 : memref<!tpu.dma_semaphore, #tpu.memory_space<semaphore_mem>>)
      %dma_wait3A_617 = arith.constant 1 : i32
      %dma_wait3A_618 = arith.constant 0 : i32
      %dma_wait3A_619 = arith.constant 0 : i32
      %dma_wait3A_620 = arith.constant 0 : i32
      %dma_wait3A_621 = tpu.memref_slice %arg6[%dma_wait3A_617, %dma_wait3A_618, %dma_wait3A_619, %dma_wait3A_620] : memref<2x5x128x64xf32, #tpu.memory_space<vmem>> -> memref<1x1x128x64xf32, #tpu.memory_space<vmem>>
      %dma_wait3A_622 = tpu.memref_squeeze %dma_wait3A_621 : memref<1x1x128x64xf32, #tpu.memory_space<vmem>> -> memref<128x64xf32, #tpu.memory_space<vmem>>
      %dma_wait3A_623 = arith.constant 0 : i32
      %dma_wait3A_624 = tpu.memref_slice %arg5[%add3A_460, %dma_wait3A_623] : memref<200x128xi32, #tpu.memory_space<vmem>> -> memref<1x128xi32, #tpu.memory_space<vmem>>
      %dma_wait3A_625 = tpu.memref_squeeze %dma_wait3A_624 : memref<1x128xi32, #tpu.memory_space<vmem>> -> memref<128xi32, #tpu.memory_space<vmem>>
      %dma_wait3A_626 = arith.constant 0 : i32
      %dma_wait3A_627 = arith.constant 0 : i32
      %dma_wait3A_628 = tpu.memref_slice %arg3[%dma_wait3A_626, %dma_wait3A_627] : memref<1000000x64xf32, #tpu.memory_space<hbm>> -> memref<1000000x64xf32, #tpu.memory_space<hbm>>
      tpu.wait_indirect_dma semaphore(%arg7 : memref<!tpu.dma_semaphore, #tpu.memory_space<semaphore_mem>>) src(%dma_wait3A_628 : memref<1000000x64xf32, #tpu.memory_space<hbm>>) dst(%dma_wait3A_622 : memref<128x64xf32, #tpu.memory_space<vmem>>)
      %dma_wait3A_629 = arith.constant 1 : i32
      %dma_wait3A_630 = arith.constant 1 : i32
      %dma_wait3A_631 = arith.constant 0 : i32
      %dma_wait3A_632 = arith.constant 0 : i32
      %dma_wait3A_633 = tpu.memref_slice %arg6[%dma_wait3A_629, %dma_wait3A_630, %dma_wait3A_631, %dma_wait3A_632] : memref<2x5x128x64xf32, #tpu.memory_space<vmem>> -> memref<1x1x128x64xf32, #tpu.memory_space<vmem>>
      %dma_wait3A_634 = tpu.memref_squeeze %dma_wait3A_633 : memref<1x1x128x64xf32, #tpu.memory_space<vmem>> -> memref<128x64xf32, #tpu.memory_space<vmem>>
      %dma_wait3A_635 = arith.constant 0 : i32
      %dma_wait3A_636 = tpu.memref_slice %arg5[%add3A_476, %dma_wait3A_635] : memref<200x128xi32, #tpu.memory_space<vmem>> -> memref<1x128xi32, #tpu.memory_space<vmem>>
      %dma_wait3A_637 = tpu.memref_squeeze %dma_wait3A_636 : memref<1x128xi32, #tpu.memory_space<vmem>> -> memref<128xi32, #tpu.memory_space<vmem>>
      %dma_wait3A_638 = arith.constant 0 : i32
      %dma_wait3A_639 = arith.constant 0 : i32
      %dma_wait3A_640 = tpu.memref_slice %arg3[%dma_wait3A_638, %dma_wait3A_639] : memref<1000000x64xf32, #tpu.memory_space<hbm>> -> memref<1000000x64xf32, #tpu.memory_space<hbm>>
      tpu.wait_indirect_dma semaphore(%arg7 : memref<!tpu.dma_semaphore, #tpu.memory_space<semaphore_mem>>) src(%dma_wait3A_640 : memref<1000000x64xf32, #tpu.memory_space<hbm>>) dst(%dma_wait3A_634 : memref<128x64xf32, #tpu.memory_space<vmem>>)
      %dma_wait3A_641 = arith.constant 1 : i32
      %dma_wait3A_642 = arith.constant 2 : i32
      %dma_wait3A_643 = arith.constant 0 : i32
      %dma_wait3A_644 = arith.constant 0 : i32
      %dma_wait3A_645 = tpu.memref_slice %arg6[%dma_wait3A_641, %dma_wait3A_642, %dma_wait3A_643, %dma_wait3A_644] : memref<2x5x128x64xf32, #tpu.memory_space<vmem>> -> memref<1x1x128x64xf32, #tpu.memory_space<vmem>>
      %dma_wait3A_646 = tpu.memref_squeeze %dma_wait3A_645 : memref<1x1x128x64xf32, #tpu.memory_space<vmem>> -> memref<128x64xf32, #tpu.memory_space<vmem>>
      %dma_wait3A_647 = arith.constant 0 : i32
      %dma_wait3A_648 = tpu.memref_slice %arg5[%add3A_492, %dma_wait3A_647] : memref<200x128xi32, #tpu.memory_space<vmem>> -> memref<1x128xi32, #tpu.memory_space<vmem>>
      %dma_wait3A_649 = tpu.memref_squeeze %dma_wait3A_648 : memref<1x128xi32, #tpu.memory_space<vmem>> -> memref<128xi32, #tpu.memory_space<vmem>>
      %dma_wait3A_650 = arith.constant 0 : i32
      %dma_wait3A_651 = arith.constant 0 : i32
      %dma_wait3A_652 = tpu.memref_slice %arg3[%dma_wait3A_650, %dma_wait3A_651] : memref<1000000x64xf32, #tpu.memory_space<hbm>> -> memref<1000000x64xf32, #tpu.memory_space<hbm>>
      tpu.wait_indirect_dma semaphore(%arg7 : memref<!tpu.dma_semaphore, #tpu.memory_space<semaphore_mem>>) src(%dma_wait3A_652 : memref<1000000x64xf32, #tpu.memory_space<hbm>>) dst(%dma_wait3A_646 : memref<128x64xf32, #tpu.memory_space<vmem>>)
      %dma_wait3A_653 = arith.constant 1 : i32
      %dma_wait3A_654 = arith.constant 3 : i32
      %dma_wait3A_655 = arith.constant 0 : i32
      %dma_wait3A_656 = arith.constant 0 : i32
      %dma_wait3A_657 = tpu.memref_slice %arg6[%dma_wait3A_653, %dma_wait3A_654, %dma_wait3A_655, %dma_wait3A_656] : memref<2x5x128x64xf32, #tpu.memory_space<vmem>> -> memref<1x1x128x64xf32, #tpu.memory_space<vmem>>
      %dma_wait3A_658 = tpu.memref_squeeze %dma_wait3A_657 : memref<1x1x128x64xf32, #tpu.memory_space<vmem>> -> memref<128x64xf32, #tpu.memory_space<vmem>>
      %dma_wait3A_659 = arith.constant 0 : i32
      %dma_wait3A_660 = tpu.memref_slice %arg5[%add3A_508, %dma_wait3A_659] : memref<200x128xi32, #tpu.memory_space<vmem>> -> memref<1x128xi32, #tpu.memory_space<vmem>>
      %dma_wait3A_661 = tpu.memref_squeeze %dma_wait3A_660 : memref<1x128xi32, #tpu.memory_space<vmem>> -> memref<128xi32, #tpu.memory_space<vmem>>
      %dma_wait3A_662 = arith.constant 0 : i32
      %dma_wait3A_663 = arith.constant 0 : i32
      %dma_wait3A_664 = tpu.memref_slice %arg3[%dma_wait3A_662, %dma_wait3A_663] : memref<1000000x64xf32, #tpu.memory_space<hbm>> -> memref<1000000x64xf32, #tpu.memory_space<hbm>>
      tpu.wait_indirect_dma semaphore(%arg7 : memref<!tpu.dma_semaphore, #tpu.memory_space<semaphore_mem>>) src(%dma_wait3A_664 : memref<1000000x64xf32, #tpu.memory_space<hbm>>) dst(%dma_wait3A_658 : memref<128x64xf32, #tpu.memory_space<vmem>>)
      %dma_wait3A_665 = arith.constant 1 : i32
      %dma_wait3A_666 = arith.constant 4 : i32
      %dma_wait3A_667 = arith.constant 0 : i32
      %dma_wait3A_668 = arith.constant 0 : i32
      %dma_wait3A_669 = tpu.memref_slice %arg6[%dma_wait3A_665, %dma_wait3A_666, %dma_wait3A_667, %dma_wait3A_668] : memref<2x5x128x64xf32, #tpu.memory_space<vmem>> -> memref<1x1x128x64xf32, #tpu.memory_space<vmem>>
      %dma_wait3A_670 = tpu.memref_squeeze %dma_wait3A_669 : memref<1x1x128x64xf32, #tpu.memory_space<vmem>> -> memref<128x64xf32, #tpu.memory_space<vmem>>
      %dma_wait3A_671 = arith.constant 0 : i32
      %dma_wait3A_672 = tpu.memref_slice %arg5[%add3A_524, %dma_wait3A_671] : memref<200x128xi32, #tpu.memory_space<vmem>> -> memref<1x128xi32, #tpu.memory_space<vmem>>
      %dma_wait3A_673 = tpu.memref_squeeze %dma_wait3A_672 : memref<1x128xi32, #tpu.memory_space<vmem>> -> memref<128xi32, #tpu.memory_space<vmem>>
      %dma_wait3A_674 = arith.constant 0 : i32
      %dma_wait3A_675 = arith.constant 0 : i32
      %dma_wait3A_676 = tpu.memref_slice %arg3[%dma_wait3A_674, %dma_wait3A_675] : memref<1000000x64xf32, #tpu.memory_space<hbm>> -> memref<1000000x64xf32, #tpu.memory_space<hbm>>
      tpu.wait_indirect_dma semaphore(%arg7 : memref<!tpu.dma_semaphore, #tpu.memory_space<semaphore_mem>>) src(%dma_wait3A_676 : memref<1000000x64xf32, #tpu.memory_space<hbm>>) dst(%dma_wait3A_670 : memref<128x64xf32, #tpu.memory_space<vmem>>)
      %add3A_677 = arith.constant 1 : i32
      %add3A_678 = arith.addi %mul3A_340, %add3A_677 : i32
      %mul3A_679 = arith.constant 5 : i32
      %mul3A_680 = arith.muli %add3A_678, %mul3A_679 : i32
      %add3A_681 = arith.addi %mul3A_2, %mul3A_680 : i32
      %dma_start3A_682 = arith.constant 1 : i32
      %dma_start3A_683 = arith.constant 0 : i32
      %dma_start3A_684 = arith.constant 0 : i32
      %dma_start3A_685 = arith.constant 0 : i32
      %dma_start3A_686 = tpu.memref_slice %arg6[%dma_start3A_682, %dma_start3A_683, %dma_start3A_684, %dma_start3A_685] : memref<2x5x128x64xf32, #tpu.memory_space<vmem>> -> memref<1x5x128x64xf32, #tpu.memory_space<vmem>>
      %dma_start3A_687 = tpu.memref_squeeze %dma_start3A_686 : memref<1x5x128x64xf32, #tpu.memory_space<vmem>> -> memref<5x128x64xf32, #tpu.memory_space<vmem>>
      %dma_start3A_688 = arith.constant 0 : i32
      %dma_start3A_689 = arith.constant 0 : i32
      %dma_start3A_690 = tpu.memref_slice %arg4[%add3A_681, %dma_start3A_688, %dma_start3A_689] : memref<6400x128x64xf32, #tpu.memory_space<hbm>> -> memref<5x128x64xf32, #tpu.memory_space<hbm>>
      %dma_start3A_691 = arith.constant 0 : i32
      %dma_start3A_692 = arith.constant 0 : i32
      %dma_start3A_693 = tpu.memref_slice %arg4[%add3A_681, %dma_start3A_691, %dma_start3A_692] : memref<6400x128x64xf32, #tpu.memory_space<hbm>> -> memref<5x128x64xf32, #tpu.memory_space<hbm>>
      %dma_start3A_694 = arith.constant 0 : i32
      %dma_start3A_695 = arith.constant 0 : i32
      %dma_start3A_696 = arith.constant 0 : i32
      %dma_start3A_697 = tpu.memref_slice %arg6[%dma_start3A_682, %dma_start3A_694, %dma_start3A_695, %dma_start3A_696] : memref<2x5x128x64xf32, #tpu.memory_space<vmem>> -> memref<1x5x128x64xf32, #tpu.memory_space<vmem>>
      %dma_start3A_698 = tpu.memref_squeeze %dma_start3A_697 : memref<1x5x128x64xf32, #tpu.memory_space<vmem>> -> memref<5x128x64xf32, #tpu.memory_space<vmem>>
      tpu.enqueue_dma source(%dma_start3A_698 : memref<5x128x64xf32, #tpu.memory_space<vmem>>) target(%dma_start3A_693 : memref<5x128x64xf32, #tpu.memory_space<hbm>>) target_semaphore(%arg9 : memref<!tpu.dma_semaphore, #tpu.memory_space<semaphore_mem>>)
    }
    %scan3A_303 = arith.constant 19 : i32
    %dma_wait3A_304 = arith.constant 0 : i32
    %dma_wait3A_305 = arith.constant 0 : i32
    %dma_wait3A_306 = arith.constant 0 : i32
    %dma_wait3A_307 = arith.constant 0 : i32
    %dma_wait3A_308 = tpu.memref_slice %arg6[%dma_wait3A_304, %dma_wait3A_305, %dma_wait3A_306, %dma_wait3A_307] : memref<2x5x128x64xf32, #tpu.memory_space<vmem>> -> memref<1x5x128x64xf32, #tpu.memory_space<vmem>>
    %dma_wait3A_309 = tpu.memref_squeeze %dma_wait3A_308 : memref<1x5x128x64xf32, #tpu.memory_space<vmem>> -> memref<5x128x64xf32, #tpu.memory_space<vmem>>
    %dma_wait3A_310 = arith.constant 0 : i32
    %dma_wait3A_311 = arith.constant 0 : i32
    %dma_wait3A_312 = tpu.memref_slice %arg4[%mul3A_2, %dma_wait3A_310, %dma_wait3A_311] : memref<6400x128x64xf32, #tpu.memory_space<hbm>> -> memref<5x128x64xf32, #tpu.memory_space<hbm>>
    %dma_wait3A_313 = arith.constant 0 : i32
    %dma_wait3A_314 = arith.constant 0 : i32
    %dma_wait3A_315 = tpu.memref_slice %arg4[%mul3A_2, %dma_wait3A_313, %dma_wait3A_314] : memref<6400x128x64xf32, #tpu.memory_space<hbm>> -> memref<5x128x64xf32, #tpu.memory_space<hbm>>
    %dma_wait3A_316 = arith.constant 0 : i32
    %dma_wait3A_317 = arith.constant 0 : i32
    %dma_wait3A_318 = arith.constant 0 : i32
    %dma_wait3A_319 = tpu.memref_slice %arg6[%dma_wait3A_304, %dma_wait3A_316, %dma_wait3A_317, %dma_wait3A_318] : memref<2x5x128x64xf32, #tpu.memory_space<vmem>> -> memref<1x5x128x64xf32, #tpu.memory_space<vmem>>
    %dma_wait3A_320 = tpu.memref_squeeze %dma_wait3A_319 : memref<1x5x128x64xf32, #tpu.memory_space<vmem>> -> memref<5x128x64xf32, #tpu.memory_space<vmem>>
    tpu.wait_dma2 semaphore(%arg8 : memref<!tpu.dma_semaphore, #tpu.memory_space<semaphore_mem>>) src(%dma_wait3A_320 : memref<5x128x64xf32, #tpu.memory_space<vmem>>) dst(%dma_wait3A_315 : memref<5x128x64xf32, #tpu.memory_space<hbm>>)
    %dma_wait3A_321 = arith.constant 1 : i32
    %dma_wait3A_322 = arith.constant 0 : i32
    %dma_wait3A_323 = arith.constant 0 : i32
    %dma_wait3A_324 = arith.constant 0 : i32
    %dma_wait3A_325 = tpu.memref_slice %arg6[%dma_wait3A_321, %dma_wait3A_322, %dma_wait3A_323, %dma_wait3A_324] : memref<2x5x128x64xf32, #tpu.memory_space<vmem>> -> memref<1x5x128x64xf32, #tpu.memory_space<vmem>>
    %dma_wait3A_326 = tpu.memref_squeeze %dma_wait3A_325 : memref<1x5x128x64xf32, #tpu.memory_space<vmem>> -> memref<5x128x64xf32, #tpu.memory_space<vmem>>
    %dma_wait3A_327 = arith.constant 0 : i32
    %dma_wait3A_328 = arith.constant 0 : i32
    %dma_wait3A_329 = tpu.memref_slice %arg4[%mul3A_2, %dma_wait3A_327, %dma_wait3A_328] : memref<6400x128x64xf32, #tpu.memory_space<hbm>> -> memref<5x128x64xf32, #tpu.memory_space<hbm>>
    %dma_wait3A_330 = arith.constant 0 : i32
    %dma_wait3A_331 = arith.constant 0 : i32
    %dma_wait3A_332 = tpu.memref_slice %arg4[%mul3A_2, %dma_wait3A_330, %dma_wait3A_331] : memref<6400x128x64xf32, #tpu.memory_space<hbm>> -> memref<5x128x64xf32, #tpu.memory_space<hbm>>
    %dma_wait3A_333 = arith.constant 0 : i32
    %dma_wait3A_334 = arith.constant 0 : i32
    %dma_wait3A_335 = arith.constant 0 : i32
    %dma_wait3A_336 = tpu.memref_slice %arg6[%dma_wait3A_321, %dma_wait3A_333, %dma_wait3A_334, %dma_wait3A_335] : memref<2x5x128x64xf32, #tpu.memory_space<vmem>> -> memref<1x5x128x64xf32, #tpu.memory_space<vmem>>
    %dma_wait3A_337 = tpu.memref_squeeze %dma_wait3A_336 : memref<1x5x128x64xf32, #tpu.memory_space<vmem>> -> memref<5x128x64xf32, #tpu.memory_space<vmem>>
    tpu.wait_dma2 semaphore(%arg9 : memref<!tpu.dma_semaphore, #tpu.memory_space<semaphore_mem>>) src(%dma_wait3A_337 : memref<5x128x64xf32, #tpu.memory_space<vmem>>) dst(%dma_wait3A_332 : memref<5x128x64xf32, #tpu.memory_space<hbm>>)
    return
  }
}

</mosaic_0001>

<sc_bundles>
// kernel: _emb_gather.3.cloned.1.call-start
scs
__scs_entry_jumppad:
0x0: {  	(pc) =	sbr.rel $0x88, $3  }
0x1: {  	(tag) =	ssettag $0x0;
	lr =	simm.s32 $0x1  }
0x2: {  	[smem:$0x3F9F] =	sst lr;
	_ =	strace $0xD0000000  }
0x3: {  	_ = 	snop  }
0x4: {  	_ = 	snop  }
0x5: {  	_ = 	snop  }
0x6: {  	_ = 	snop  }
0x7: {  	_ = 	snop  }
__scs_overlays_trampoline_lowered:
0x8: {  	[smem:$0x3FAE] =	sst s0  }
0x9: {  	[smem:$0x3FAF] =	sst s1  }
0xa: {  	[smem:$0x3FB0] =	sst s2  }
0xb: {  	[smem:$0x3FB1] =	sst s3  }
0xc: {  	[smem:$0x3FB2] =	sst s4  }
0xd: {  	[smem:$0x3FB3] =	sst s5  }
0xe: {  	[smem:$0x3FB4] =	sst s6  }
0xf: {  	[smem:$0x3FB5] =	sst s7  }
0x10: {  	[smem:$0x3FB6] =	sst s8  }
0x11: {  	[smem:$0x3FB7] =	sst s9;
	s0 =	simm.s32 @!p0 $0x0  }
0x12: {  	s1 =	sld [smem:$0x3F9D];
	s0 =	simm.s32 @p0 $0x1  }
0x13: {  	[smem:$0x3FB8] =	sst s0;
	s0 =	simm.s32 @!p1 $0x0  }
0x14: {  	s2 =	sld [smem:$0x3F9C];
	s0 =	simm.s32 @p1 $0x1  }
0x15: {  	[smem:$0x3FB9] =	sst s0;
	s0 =	simm.s32 @!p2 $0x0  }
0x16: {  	s3 =	sld [smem:$0x3FDB];
	s0 =	simm.s32 @p2 $0x1  }
0x17: {  	s4 =	simm.s32 $0x1BF5;
	[smem:$0x3FBB] =	sst s0  }
0x18: {  	s0 =	sld [smem:$0x3F9E];
	_ =	swait.ge [sflag:s4], $0x0  }
0x19: {  	s7 =	sld [smem:$0x3F9F]  }
0x1a: {  	s8 =	sadd.s32 $0xFFFFE003, lr  }
0x1b: {  	s9 =	sadd.s32 $0xFFFFFEF7, lr;
	s5 =	simm.s32 $0xFFFFFFFF;
	p2 =	slt.u32 s8, $0xFFFFF086  }
0x1c: {  	p1 =	slt.u32 s9, $0xF7A;
	s5 =	simm.s32 @!p2 $0x0  }
0x1d: {  	s5 =	simm.s32 @p1 $0x1;
	p0 =	seq.s32 s7, s2  }
0x1e: {  	s7 =	smul.u32 @!p0 $0xF7A, s2;
	p2 =	seq.s32 @!p0 s5, $0x0  }
0x1f: {  	s9 =	smul.u32 $0xF7A, s1;
	s8 =	simm.s32 @!p0 $0x1BF5;
	p2 =	por !p2, p0  }
0x20: {  	[sflag:s8] =	ssyncset.s32 @!p0 $0xFFFFF086;
	s6 =	sadd.s32 @!p0 s3, s7;
	s7 =	simm.s32 @!p0 $0x108  }
0x21: {  	s3 =	sadd.s32 s3, s9;
	s6 =	sadd.s32 @!p0 $0x88, s6;
	s7 =	simm.s32 @p2 $0x1082  }
0x22: {  	[simem:s7], [sflag:s8] =	dma.local @!p0 [hbm:s6], $0xF7A  }
0x23: {  	s9 =	sor.u32 $0xD0000000, s2;
	s6 =	simm.s32 $0x108;
	_ =	swait.ge @!p0 [sflag:s8], $0x0  }
0x24: {  	s3 =	sadd.s32 $0x88, s3;
	s6 =	simm.s32 @!p1 $0x1082;
	[sflag:s4] =	ssyncset.s32 $0xFFFFF086  }
0x25: {  	[simem:s6], [sflag:s4] =	dma.local [hbm:s3], $0xF7A  }
0x26: {  	[smem:$0x3F9F] =	sst s1;
	(tag) =	ssettag s2;
	_ =	strace s9  }
0x27: {  	s1 =	sld [smem:$0x3FAF]  }
0x28: {  	s2 =	sld [smem:$0x3FB0]  }
0x29: {  	s4 =	sld [smem:$0x3FB2]  }
0x2a: {  	p0 =	seq.s32 s5, $0x0;
	s5 =	sld [smem:$0x3FB3]  }
0x2b: {  	s6 =	sld [smem:$0x3FB4]  }
0x2c: {  	s7 =	sld [smem:$0x3FB5]  }
0x2d: {  	s3 =	simm.s32 $0x108;
	s8 =	sld [smem:$0x3FB6]  }
0x2e: {  	s3 =	simm.s32 @!p0 $0x1082;
	s9 =	sld [smem:$0x3FB7]  }
0x2f: {  	lr =	sadd.s32 s0, s3;
	s0 =	sld [smem:$0x3FAE]  }
0x30: {  	s3 =	sld [smem:$0x3FB1]  }
0x31: {  	[smem:$0x3FBA] =	sst s10  }
0x32: {  	s10 =	sld [smem:$0x3FB8];
	_ =	sdelay $0x3  }
0x33: {  	p0 =	seq.s32 s10, $0x1;
	s10 =	sld [smem:$0x3FBA];
	_ =	sdelay $0x3  }
0x34: {  	[smem:$0x3FBA] =	sst s10  }
0x35: {  	s10 =	sld [smem:$0x3FB9];
	_ =	sdelay $0x3  }
0x36: {  	p1 =	seq.s32 s10, $0x1;
	s10 =	sld [smem:$0x3FBA];
	_ =	sdelay $0x3  }
0x37: {  	[smem:$0x3FBA] =	sst s10  }
0x38: {  	s10 =	sld [smem:$0x3FBB]  }
0x39: {  	_ = 	snop;
	(pc) =	sbr.ind lr, $3  }
0x3a: {  	_ = 	snop  }
0x3b: {  	_ = 	snop  }
0x3c: {  	p2 =	seq.s32 s10, $0x1;
	s10 =	sld [smem:$0x3FBA]  }
0x3d: {  	_ =	shalt  }
0x3e: {  	_ =	shalt  }
0x3f: {  	_ =	shalt  }
0x40: {  	_ =	shalt  }
0x41: {  	_ =	shalt  }
0x42: {  	_ =	shalt  }
0x43: {  	_ =	shalt  }
0x44: {  	_ =	shalt  }
0x45: {  	_ =	shalt  }
0x46: {  	_ =	shalt  }
0x47: {  	_ =	shalt  }
0x48: {  	_ =	shalt  }
0x49: {  	_ =	shalt  }
0x4a: {  	_ =	shalt  }
0x4b: {  	_ =	shalt  }
0x4c: {  	_ =	shalt  }
0x4d: {  	_ =	shalt  }
0x4e: {  	_ =	shalt  }
0x4f: {  	_ =	shalt  }
0x50: {  	_ =	shalt  }
0x51: {  	_ =	shalt  }
0x52: {  	_ =	shalt  }
0x53: {  	_ =	shalt  }
0x54: {  	_ =	shalt  }
0x55: {  	_ =	shalt  }
0x56: {  	_ =	shalt  }
0x57: {  	_ =	shalt  }
0x58: {  	_ =	shalt  }
0x59: {  	_ =	shalt  }
0x5a: {  	_ =	shalt  }
0x5b: {  	_ =	shalt  }
0x5c: {  	_ =	shalt  }
0x5d: {  	_ =	shalt  }
0x5e: {  	_ =	shalt  }
0x5f: {  	_ =	shalt  }
0x60: {  	_ =	shalt  }
0x61: {  	_ =	shalt  }
0x62: {  	_ =	shalt  }
0x63: {  	_ =	shalt  }
0x64: {  	_ =	shalt  }
0x65: {  	_ =	shalt  }
0x66: {  	_ =	shalt  }
0x67: {  	_ =	shalt  }
0x68: {  	_ =	shalt  }
0x69: {  	_ =	shalt  }
0x6a: {  	_ =	shalt  }
0x6b: {  	_ =	shalt  }
0x6c: {  	_ =	shalt  }
0x6d: {  	_ =	shalt  }
0x6e: {  	_ =	shalt  }
0x6f: {  	_ =	shalt  }
0x70: {  	_ =	shalt  }
0x71: {  	_ =	shalt  }
0x72: {  	_ =	shalt  }
0x73: {  	_ =	shalt  }
0x74: {  	_ =	shalt  }
0x75: {  	_ =	shalt  }
0x76: {  	_ =	shalt  }
0x77: {  	_ =	shalt  }
0x78: {  	_ =	shalt  }
0x79: {  	_ =	shalt  }
0x7a: {  	_ =	shalt  }
0x7b: {  	_ =	shalt  }
0x7c: {  	_ =	shalt  }
0x7d: {  	_ =	shalt  }
0x7e: {  	_ =	shalt  }
0x7f: {  	_ =	shalt  }
0x80: {  	_ =	shalt  }
0x81: {  	_ =	shalt  }
0x82: {  	_ =	shalt  }
0x83: {  	_ =	shalt  }
0x84: {  	_ =	shalt  }
0x85: {  	_ =	shalt  }
0x86: {  	_ =	shalt  }
0x87: {  	_ =	shalt  }
.Lfunc_end0:
.L_simem_size_0:
called_computation.1_lowered:
.L_overlay_start_0:
0x88: {  	s2 =	sld [smem:$0x3FD9]  }
0x89: {  	s3 =	sld [smem:$0x3FFE];
	_ =	sdelay $0x1  }
0x8a: {  	s1 =	srdreg.scid  }
0x8b: {  	s0 =	sand.u32 $0x1, s1  }
0x8c: {  	s17 =	sshll.u32 s0, $0xA;
	s2 =	sadd.s32 s3, s2  }
0x8d: {  	s2 =	sadd.s32 s2, s17  }
0x8e: {  	[smem:$0x3FC6] =	sst s2  }
0x8f: {  	_ = 	snop  }
0x90: {  	s2 =	sld [smem:$0x3FC9]  }
0x91: {  	s18 =	sld [smem:$0x3FD0];
	(tm) =	ssettm $0x1  }
0x92: {  	s4 =	sld [smem:$0x3FFB];
	_ =	sdelay $0x3  }
0x93: {  	_ =	strace s4  }
0x94: {  	s4 =	sld [smem:$0x3FFC];
	_ =	sdelay $0x3  }
0x95: {  	_ =	strace s4  }
0x96: {  	s4 =	sld [smem:$0x3FFD];
	_ =	sdelay $0x3  }
0x97: {  	_ =	strace s4  }
0x98: {  	_ =	strace $0x8FFFFFFF  }
0x99: {  	s19 =	sld [smem:$0x3FDB];
	_ =	sdelay $0x1  }
0x9a: {  	s5 =	simm.s32 $_scs_section_size  }
0x9b: {  	s6 =	simm.s32 $_size__tile_overlayer_lowered;
	s7 =	simm.s32 $_tile_overlayer_lowered  }
0x9c: {  	s22 =	simm.s32 $0x1BFF;
	s21 =	sshll.u32 s7, $0x1;
	s4 =	sadd.s32 s5, s19  }
0x9d: {  	s8 =	simm.s32 $0x0;
	s20 =	sshll.u32 s6, $0x1;
	s6 =	sadd.s32 s21, s4  }
0x9e: {  	[timem:s8], [sflag:s22] =	dma.local [hbm:s6], s20  }
0x9f: {  	_ =	swait.ge [sflag:s22], s20  }
0xa0: {  	s5 =	ssub.s32 $0x0, s20;
	[sflag:s22] =	ssyncset.done $0x0  }
0xa1: {  	[sflag:s22] =	ssyncadd.s32 s5;
	_ =	sdelay $0x1  }
0xa2: {  	s23 =	simm.s32 $0x1B8B  }
0xa3: {  	_ =	swait.ge [sflag:s23], $0x1  }
0xa4: {  	[sflag:s23] =	ssyncset.done $0x0  }
0xa5: {  	s25 =	simm.s32 $0x1B8E;
	s24 =	sld [smem:$0x3FFE];
	[sflag:s23] =	ssyncadd.s32 $0xFFFFFFFF  }
0xa6: {  	s26 =	simm.s32 $execute0_lowered;
	[smem:$0x3FD2] =	sst s25  }
0xa7: {  	s6 =	sshll.u32 s26, $0x1;
	_ =	strace $0x80000046;
	[dreg:$0x1] =	wrdreg $0xFFFFFFFF  }
0xa8: {  	s28 =	simm.s32 $_size_execute0_lowered;
	s4 =	sadd.s32 s4, s6;
	[dreg:$0x0] =	wrdreg $0x0  }
0xa9: {  	s6 =	sshll.u32 s28, $0x1;
	[dreg:$0x2] =	wrdreg s4  }
0xaa: {  	[dreg:$0x3] =	wrdreg s6  }
0xab: {  	[dreg:$0x4] =	wrdreg $0xC0  }
0xac: {  	_ =	task [dreg:s8], $0x5FFFF  }
0xad: {  	[dreg:$0x1] =	wrdreg $0xFFFFFFFF  }
0xae: {  	[dreg:$0x0] =	wrdreg $0x60  }
0xaf: {  	[dreg:$0x2] =	wrdreg s2  }
0xb0: {  	[dreg:$0x3] =	wrdreg s24  }
0xb1: {  	[dreg:$0x4] =	wrdreg s18  }
0xb2: {  	[dreg:$0x5] =	wrdreg $0x9  }
0xb3: {  	_ =	task.clear_ibuf [dreg:s8], $0x6FFFF;
	_ =	strace $0x90000046  }
0xb4: {  	s29 =	simm.s32 $0x9;
	_ =	strace $0x80000048  }
0xb5: {  	_ =	swait.ge [sflag:s29], $0x1  }
0xb6: {  	[sflag:s29] =	ssyncadd.s32 $0xFFFFFFFF  }
0xb7: {  	_ =	strace $0x90000048  }
0xb8: {  	_ =	sfence  }
0xb9: {  	s30 =	sld [smem:$0x0];
	_ =	sdelay $0x2  }
0xba: {  	s31 =	sshll.u32 s1, $0xD;
	s1 =	sshrl.u32 s1, $0x2  }
0xbb: {  	s3 =	sand.u32 $0x4000, s31;
	s1 =	sadd.s32 s1, s30  }
0xbc: {  	s0 =	sor.u32 s3, s0;
	s1 =	sshll.u32 s1, $0x11  }
0xbd: {  	s0 =	sor.u32 s1, s0  }
0xbe: {  	s0 =	sadd.s32 $0x8F2B, s0  }
0xbf: {  	[sflag:s0] =	ssyncadd.remote.s32 $0x1  }
0xc0: {  	_ =	sfence.sel $0xFFFF  }
0xc1: {  	[dreg:$0x0] =	wrdreg $0xFFFFFFFF;
	(pc) =	sbr.abs _section_cstart, $3  }
0xc2: {  	[dreg:$0x1] =	wrdreg $0xFFFFFFFF  }
0xc3: {  	_ =	task.clear_ibuf [dreg:s8], $0x2FFFF;
	_ =	strace $0x9FFFFFFF  }
0xc4: {  	(tm) =	ssettm $0x7FFFFFFF  }
0xc5: {  	_ =	shalt  }
tec
execute0_lowered:
.L_overlay_start_1:
0x0: {  	(tag) =	ssettag $0x1  }
0x1: {  	s0 =	rddreg [dreg:$0x0]  }
0x2: {  	s1 =	rddreg [dreg:$0x1]  }
0x3: {  	s7 =	rddreg [dreg:$0x2]  }
0x4: {  	s2 =	simm.s32 $0x0;
	s3 =	srdreg.scid;
	s5 =	stileid.u32  }
0x5: {  	s10 =	simm.s32 $0x4;
	s11 =	simm.s32 $0x80;
	s12 =	simm.s32 $0x6400  }
0x6: {  	s13 =	simm.s32 $0x8400;
	s15 =	simm.s32 $0xA400;
	s17 =	simm.s32 $0xC400  }
0x7: {  	s19 =	simm.s32 $0xE400;
	s21 =	simm.s32 $0x10400;
	s28 =	simm.s32 $0x16400  }
0x8: {  	s29 =	simm.s32 $0x480;
	s30 =	simm.s32 $0x18400;
	s31 =	simm.s32 $0x1  }
0x9: {  	s14 =	simm.s32 $0x0;
	[smem:$0x7FF] =	sst s2;
	s4 =	sand.u32 $0x1, s3  }
0xa: {  	s23 =	sshll.u32 s5, $0x1;
	s5 =	smul.u32 $0x190, s5;
	s3 =	sadd.s32 $0xF42C00, s1  }
0xb: {  	_ =	strace $0x80000047;
	s6 =	sor.u32 s4, s23;
	s8 =	smul.u32 $0xC8, s4  }
0xc: {  	s24 =	ssub.s32 $0x2, s4;
	s23 =	simm.s32 $0x12400;
	s25 =	smul.u32 $0x32000, s6  }
0xd: {  	s9 =	sshrl.u32 s24, $0x1;
	s6 =	smul.u32 $0xC80, s6;
	s5 =	sadd.s32 s8, s5  }
0xe: {  	s1 =	ssub.s32 s24, s9;
	s4 =	sadd.s32 s7, s25;
	s8 =	sshll.u32 s5, $0xA  }
0xf: {  	s5 =	sadd.s32 s0, s6;
	s25 =	simm.s32 $0x14400;
	s0 =	simm.s32 $0x2  }
0x10: {  	s6 =	sadd.s32 $0x1400, s4;
	s26 =	sadd.s32 s7, s8;
	s7 =	smax.u32 s1, $0x1  }
0x11: {  	s1 =	simm.s32 $0x3;
	s8 =	sadd.s32 $0x2800, s26;
	s22 =	sadd.s32 $0x3C00, s26  }
.LBB2_1:
0x12: {  	[tilespmem:s2], [sflag:$0x4] =	stream.linear.gather [hbm4b:s5+s2], $0x6400, $0x38;
	[tilespmem:$0x1A400] =	vst v63  }
0x13: {  	_ =	swait.ge [sflag:s10], $0x6400  }
0x14: {  	[sflag:s10] =	ssyncset.done $0x0  }
0x15: {  	[sflag:s10] =	ssyncadd.s32 $0xFFFF9C00  }
0x16: {  	[tilespmem:s12], [sflag:$0x1] =	stream.indirect.gather [hbm4b:s3+s11], $0x40, s2, s11, $0xb8;
	[tilespmem:$0x1A400] =	vst v63  }
0x17: {  	_ = 	snop  }
0x18: {  	[tilespmem:s13], [sflag:$0x1] =	stream.indirect.gather [hbm4b:s3+s11], $0x40, s11, s11, $0xb8;
	[tilespmem:$0x1A400] =	vst v63  }
0x19: {  	s9 =	simm.s32 $0x100  }
0x1a: {  	[tilespmem:s15], [sflag:$0x1] =	stream.indirect.gather [hbm4b:s3+s11], $0x40, s9, s11, $0xb8;
	[tilespmem:$0x1A400] =	vst v63  }
0x1b: {  	s26 =	simm.s32 $0x180  }
0x1c: {  	[tilespmem:s17], [sflag:$0x1] =	stream.indirect.gather [hbm4b:s3+s11], $0x40, s26, s11, $0xb8;
	[tilespmem:$0x1A400] =	vst v63  }
0x1d: {  	s16 =	simm.s32 $0x200  }
0x1e: {  	[tilespmem:s19], [sflag:$0x1] =	stream.indirect.gather [hbm4b:s3+s11], $0x40, s16, s11, $0xb8;
	[tilespmem:$0x1A400] =	vst v63  }
0x1f: {  	s18 =	simm.s32 $0x280  }
0x20: {  	[tilespmem:s21], [sflag:$0x1] =	stream.indirect.gather [hbm4b:s3+s11], $0x40, s18, s11, $0xb8;
	[tilespmem:$0x1A400] =	vst v63  }
0x21: {  	s20 =	simm.s32 $0x300  }
0x22: {  	[tilespmem:s23], [sflag:$0x1] =	stream.indirect.gather [hbm4b:s3+s11], $0x40, s20, s11, $0xb8;
	[tilespmem:$0x1A400] =	vst v63  }
0x23: {  	s24 =	simm.s32 $0x380  }
0x24: {  	[tilespmem:s25], [sflag:$0x1] =	stream.indirect.gather [hbm4b:s3+s11], $0x40, s24, s11, $0xb8;
	[tilespmem:$0x1A400] =	vst v63  }
0x25: {  	s26 =	simm.s32 $0x400  }
0x26: {  	[tilespmem:s28], [sflag:$0x1] =	stream.indirect.gather [hbm4b:s3+s11], $0x40, s26, s11, $0xb8;
	[tilespmem:$0x1A400] =	vst v63  }
0x27: {  	_ = 	snop  }
0x28: {  	[tilespmem:s30], [sflag:$0x1] =	stream.indirect.gather [hbm4b:s3+s11], $0x40, s29, s11, $0xb8;
	[tilespmem:$0x1A400] =	vst v63  }
0x29: {  	_ =	swait.ge [sflag:s31], $0x2000  }
0x2a: {  	[sflag:s31] =	ssyncset.done $0x0  }
0x2b: {  	[sflag:s31] =	ssyncadd.s32 $0xFFFFE000  }
0x2c: {  	_ =	swait.ge [sflag:s31], $0x2000  }
0x2d: {  	[sflag:s31] =	ssyncset.done $0x0  }
0x2e: {  	[sflag:s31] =	ssyncadd.s32 $0xFFFFE000  }
0x2f: {  	_ =	swait.ge [sflag:s31], $0x2000  }
0x30: {  	[sflag:s31] =	ssyncset.done $0x0  }
0x31: {  	[sflag:s31] =	ssyncadd.s32 $0xFFFFE000  }
0x32: {  	_ =	swait.ge [sflag:s31], $0x2000  }
0x33: {  	[sflag:s31] =	ssyncset.done $0x0  }
0x34: {  	[sflag:s31] =	ssyncadd.s32 $0xFFFFE000  }
0x35: {  	_ =	swait.ge [sflag:s31], $0x2000  }
0x36: {  	[sflag:s31] =	ssyncset.done $0x0  }
0x37: {  	[sflag:s31] =	ssyncadd.s32 $0xFFFFE000  }
0x38: {  	[hbm4b:s4+s2] =	stream.linear.scatter [tilespmem:s12], [sflag:$0x2], $0xA000, $0x38;
	[tilespmem:$0x1A400] =	vst v63  }
0x39: {  	_ =	swait.ge [sflag:s31], $0x2000  }
0x3a: {  	[sflag:s31] =	ssyncset.done $0x0  }
0x3b: {  	[sflag:s31] =	ssyncadd.s32 $0xFFFFE000  }
0x3c: {  	_ =	swait.ge [sflag:s31], $0x2000  }
0x3d: {  	[sflag:s31] =	ssyncset.done $0x0  }
0x3e: {  	[sflag:s31] =	ssyncadd.s32 $0xFFFFE000  }
0x3f: {  	_ =	swait.ge [sflag:s31], $0x2000  }
0x40: {  	[sflag:s31] =	ssyncset.done $0x0  }
0x41: {  	[sflag:s31] =	ssyncadd.s32 $0xFFFFE000  }
0x42: {  	_ =	swait.ge [sflag:s31], $0x2000  }
0x43: {  	[sflag:s31] =	ssyncset.done $0x0  }
0x44: {  	[sflag:s31] =	ssyncadd.s32 $0xFFFFE000  }
0x45: {  	_ =	swait.ge [sflag:s31], $0x2000  }
0x46: {  	[sflag:s31] =	ssyncset.done $0x0  }
0x47: {  	[sflag:s31] =	ssyncadd.s32 $0xFFFFE000  }
0x48: {  	[hbm4b:s6+s2] =	stream.linear.scatter [tilespmem:s21], [sflag:$0x3], $0xA000, $0x38;
	[tilespmem:$0x1A400] =	vst v63  }
0x49: {  	_ =	swait.ge [sflag:s0], $0xA000  }
0x4a: {  	[sflag:s0] =	ssyncset.done $0x0  }
0x4b: {  	s16 =	simm.s32 $0x500;
	[sflag:s0] =	ssyncadd.s32 $0xFFFF6000  }
0x4c: {  	[tilespmem:s12], [sflag:$0x1] =	stream.indirect.gather [hbm4b:s3+s11], $0x40, s16, s11, $0xb8;
	[tilespmem:$0x1A400] =	vst v63  }
0x4d: {  	s18 =	simm.s32 $0x580  }
0x4e: {  	[tilespmem:s13], [sflag:$0x1] =	stream.indirect.gather [hbm4b:s3+s11], $0x40, s18, s11, $0xb8;
	[tilespmem:$0x1A400] =	vst v63  }
0x4f: {  	s20 =	simm.s32 $0x600  }
0x50: {  	[tilespmem:s15], [sflag:$0x1] =	stream.indirect.gather [hbm4b:s3+s11], $0x40, s20, s11, $0xb8;
	[tilespmem:$0x1A400] =	vst v63  }
0x51: {  	s24 =	simm.s32 $0x680  }
0x52: {  	[tilespmem:s17], [sflag:$0x1] =	stream.indirect.gather [hbm4b:s3+s11], $0x40, s24, s11, $0xb8;
	[tilespmem:$0x1A400] =	vst v63  }
0x53: {  	s26 =	simm.s32 $0x700  }
0x54: {  	[tilespmem:s19], [sflag:$0x1] =	stream.indirect.gather [hbm4b:s3+s11], $0x40, s26, s11, $0xb8;
	[tilespmem:$0x1A400] =	vst v63  }
0x55: {  	_ =	swait.ge [sflag:s1], $0xA000  }
0x56: {  	[sflag:s1] =	ssyncset.done $0x0  }
0x57: {  	s16 =	simm.s32 $0x780;
	[sflag:s1] =	ssyncadd.s32 $0xFFFF6000  }
0x58: {  	[tilespmem:s21], [sflag:$0x1] =	stream.indirect.gather [hbm4b:s3+s11], $0x40, s16, s11, $0xb8;
	[tilespmem:$0x1A400] =	vst v63  }
0x59: {  	s18 =	simm.s32 $0x800  }
0x5a: {  	[tilespmem:s23], [sflag:$0x1] =	stream.indirect.gather [hbm4b:s3+s11], $0x40, s18, s11, $0xb8;
	[tilespmem:$0x1A400] =	vst v63  }
0x5b: {  	s20 =	simm.s32 $0x880  }
0x5c: {  	[tilespmem:s25], [sflag:$0x1] =	stream.indirect.gather [hbm4b:s3+s11], $0x40, s20, s11, $0xb8;
	[tilespmem:$0x1A400] =	vst v63  }
0x5d: {  	s24 =	simm.s32 $0x900  }
0x5e: {  	[tilespmem:s28], [sflag:$0x1] =	stream.indirect.gather [hbm4b:s3+s11], $0x40, s24, s11, $0xb8;
	[tilespmem:$0x1A400] =	vst v63  }
0x5f: {  	s26 =	simm.s32 $0x980  }
0x60: {  	[tilespmem:s30], [sflag:$0x1] =	stream.indirect.gather [hbm4b:s3+s11], $0x40, s26, s11, $0xb8;
	[tilespmem:$0x1A400] =	vst v63  }
0x61: {  	_ =	swait.ge [sflag:s31], $0x2000  }
0x62: {  	[sflag:s31] =	ssyncset.done $0x0  }
0x63: {  	[sflag:s31] =	ssyncadd.s32 $0xFFFFE000  }
0x64: {  	_ =	swait.ge [sflag:s31], $0x2000  }
0x65: {  	[sflag:s31] =	ssyncset.done $0x0  }
0x66: {  	[sflag:s31] =	ssyncadd.s32 $0xFFFFE000  }
0x67: {  	_ =	swait.ge [sflag:s31], $0x2000  }
0x68: {  	[sflag:s31] =	ssyncset.done $0x0  }
0x69: {  	[sflag:s31] =	ssyncadd.s32 $0xFFFFE000  }
0x6a: {  	_ =	swait.ge [sflag:s31], $0x2000  }
0x6b: {  	[sflag:s31] =	ssyncset.done $0x0  }
0x6c: {  	[sflag:s31] =	ssyncadd.s32 $0xFFFFE000  }
0x6d: {  	_ =	swait.ge [sflag:s31], $0x2000  }
0x6e: {  	[sflag:s31] =	ssyncset.done $0x0  }
0x6f: {  	[sflag:s31] =	ssyncadd.s32 $0xFFFFE000  }
0x70: {  	[hbm4b:s8+s2] =	stream.linear.scatter [tilespmem:s12], [sflag:$0x2], $0xA000, $0x38;
	[tilespmem:$0x1A400] =	vst v63  }
0x71: {  	_ =	swait.ge [sflag:s31], $0x2000  }
0x72: {  	[sflag:s31] =	ssyncset.done $0x0  }
0x73: {  	[sflag:s31] =	ssyncadd.s32 $0xFFFFE000  }
0x74: {  	_ =	swait.ge [sflag:s31], $0x2000  }
0x75: {  	[sflag:s31] =	ssyncset.done $0x0  }
0x76: {  	[sflag:s31] =	ssyncadd.s32 $0xFFFFE000  }
0x77: {  	_ =	swait.ge [sflag:s31], $0x2000  }
0x78: {  	[sflag:s31] =	ssyncset.done $0x0  }
0x79: {  	[sflag:s31] =	ssyncadd.s32 $0xFFFFE000  }
0x7a: {  	_ =	swait.ge [sflag:s31], $0x2000  }
0x7b: {  	[sflag:s31] =	ssyncset.done $0x0  }
0x7c: {  	[sflag:s31] =	ssyncadd.s32 $0xFFFFE000  }
0x7d: {  	_ =	swait.ge [sflag:s31], $0x2000  }
0x7e: {  	s9 =	smov.u32 s22;
	s16 =	simm.s32 $0x1400;
	[sflag:s31] =	ssyncset.done $0x0  }
0x7f: {  	s18 =	sadd.s32 $0x2800, s8;
	s20 =	sadd.s32 $0x2800, s22;
	[sflag:s31] =	ssyncadd.s32 $0xFFFFE000  }
.LBB2_2:
0x80: {  	[hbm4b:s9+s2] =	stream.linear.scatter [tilespmem:s21], [sflag:$0x3], $0xA000, $0x38;
	[tilespmem:$0x1A400] =	vst v63  }
0x81: {  	s24 =	smov.u32 s16;
	s9 =	smov.u32 s20  }
0x82: {  	p0 =	sne.s32 s16, $0x16800;
	s16 =	sadd.s32 $0x1400, s16;
	_ =	swait.ge [sflag:s0], $0xA000  }
0x83: {  	s24 =	sshra.s32 s24, $0x2;
	[sflag:s0] =	ssyncset.done $0x0  }
0x84: {  	s26 =	sadd.s32 $0x500, s24;
	[sflag:s0] =	ssyncadd.s32 $0xFFFF6000  }
0x85: {  	[tilespmem:s12], [sflag:$0x1] =	stream.indirect.gather [hbm4b:s3+s11], $0x40, s26, s11, $0xb8;
	[tilespmem:$0x1A400] =	vst v63  }
0x86: {  	s26 =	sadd.s32 $0x580, s24  }
0x87: {  	[tilespmem:s13], [sflag:$0x1] =	stream.indirect.gather [hbm4b:s3+s11], $0x40, s26, s11, $0xb8;
	[tilespmem:$0x1A400] =	vst v63  }
0x88: {  	s26 =	sadd.s32 $0x600, s24  }
0x89: {  	[tilespmem:s15], [sflag:$0x1] =	stream.indirect.gather [hbm4b:s3+s11], $0x40, s26, s11, $0xb8;
	[tilespmem:$0x1A400] =	vst v63  }
0x8a: {  	s26 =	sadd.s32 $0x680, s24  }
0x8b: {  	[tilespmem:s17], [sflag:$0x1] =	stream.indirect.gather [hbm4b:s3+s11], $0x40, s26, s11, $0xb8;
	[tilespmem:$0x1A400] =	vst v63  }
0x8c: {  	s26 =	sadd.s32 $0x700, s24  }
0x8d: {  	[tilespmem:s19], [sflag:$0x1] =	stream.indirect.gather [hbm4b:s3+s11], $0x40, s26, s11, $0xb8;
	[tilespmem:$0x1A400] =	vst v63  }
0x8e: {  	_ =	swait.ge [sflag:s1], $0xA000  }
0x8f: {  	[sflag:s1] =	ssyncset.done $0x0  }
0x90: {  	s26 =	sadd.s32 $0x780, s24;
	[sflag:s1] =	ssyncadd.s32 $0xFFFF6000  }
0x91: {  	[tilespmem:s21], [sflag:$0x1] =	stream.indirect.gather [hbm4b:s3+s11], $0x40, s26, s11, $0xb8;
	[tilespmem:$0x1A400] =	vst v63  }
0x92: {  	s26 =	sadd.s32 $0x800, s24  }
0x93: {  	[tilespmem:s23], [sflag:$0x1] =	stream.indirect.gather [hbm4b:s3+s11], $0x40, s26, s11, $0xb8;
	[tilespmem:$0x1A400] =	vst v63  }
0x94: {  	s26 =	sadd.s32 $0x880, s24  }
0x95: {  	[tilespmem:s25], [sflag:$0x1] =	stream.indirect.gather [hbm4b:s3+s11], $0x40, s26, s11, $0xb8;
	[tilespmem:$0x1A400] =	vst v63  }
0x96: {  	s26 =	sadd.s32 $0x900, s24  }
0x97: {  	[tilespmem:s28], [sflag:$0x1] =	stream.indirect.gather [hbm4b:s3+s11], $0x40, s26, s11, $0xb8;
	[tilespmem:$0x1A400] =	vst v63  }
0x98: {  	s24 =	sadd.s32 $0x980, s24  }
0x99: {  	[tilespmem:s30], [sflag:$0x1] =	stream.indirect.gather [hbm4b:s3+s11], $0x40, s24, s11, $0xb8;
	[tilespmem:$0x1A400] =	vst v63  }
0x9a: {  	_ =	swait.ge [sflag:s31], $0x2000  }
0x9b: {  	[sflag:s31] =	ssyncset.done $0x0  }
0x9c: {  	[sflag:s31] =	ssyncadd.s32 $0xFFFFE000  }
0x9d: {  	_ =	swait.ge [sflag:s31], $0x2000  }
0x9e: {  	[sflag:s31] =	ssyncset.done $0x0  }
0x9f: {  	[sflag:s31] =	ssyncadd.s32 $0xFFFFE000  }
0xa0: {  	_ =	swait.ge [sflag:s31], $0x2000  }
0xa1: {  	[sflag:s31] =	ssyncset.done $0x0  }
0xa2: {  	[sflag:s31] =	ssyncadd.s32 $0xFFFFE000  }
0xa3: {  	_ =	swait.ge [sflag:s31], $0x2000  }
0xa4: {  	[sflag:s31] =	ssyncset.done $0x0  }
0xa5: {  	[sflag:s31] =	ssyncadd.s32 $0xFFFFE000  }
0xa6: {  	_ =	swait.ge [sflag:s31], $0x2000  }
0xa7: {  	[sflag:s31] =	ssyncset.done $0x0  }
0xa8: {  	[sflag:s31] =	ssyncadd.s32 $0xFFFFE000  }
0xa9: {  	[hbm4b:s18+s2] =	stream.linear.scatter [tilespmem:s12], [sflag:$0x2], $0xA000, $0x38;
	[tilespmem:$0x1A400] =	vst v63  }
0xaa: {  	_ =	swait.ge [sflag:s31], $0x2000  }
0xab: {  	[sflag:s31] =	ssyncset.done $0x0  }
0xac: {  	[sflag:s31] =	ssyncadd.s32 $0xFFFFE000  }
0xad: {  	_ =	swait.ge [sflag:s31], $0x2000  }
0xae: {  	[sflag:s31] =	ssyncset.done $0x0  }
0xaf: {  	[sflag:s31] =	ssyncadd.s32 $0xFFFFE000  }
0xb0: {  	_ =	swait.ge [sflag:s31], $0x2000  }
0xb1: {  	[sflag:s31] =	ssyncset.done $0x0  }
0xb2: {  	[sflag:s31] =	ssyncadd.s32 $0xFFFFE000  }
0xb3: {  	_ =	swait.ge [sflag:s31], $0x2000  }
.Ltmp0:
0xb4: {  	[sflag:s31] =	ssyncset.done $0x0;
	(pc) =	sbr.rel @p0 .LBB2_2-.Ltmp0, $4  }
0xb5: {  	[sflag:s31] =	ssyncadd.s32 $0xFFFFE000  }
0xb6: {  	_ =	swait.ge [sflag:s31], $0x2000  }
0xb7: {  	[sflag:s31] =	ssyncset.done $0x0  }
0xb8: {  	s20 =	sadd.s32 $0x2800, s20;
	s18 =	sadd.s32 $0x2800, s18;
	[sflag:s31] =	ssyncadd.s32 $0xFFFFE000  }
0xb9: {  	[hbm4b:s9+s2] =	stream.linear.scatter [tilespmem:s21], [sflag:$0x3], $0xA000, $0x38;
	[tilespmem:$0x1A400] =	vst v63  }
0xba: {  	s14 =	sadd.s32 $0x1, s14  }
0xbb: {  	_ =	swait.ge [sflag:s0], $0xA000;
	p0 =	sne.s32 s14, s7  }
.Ltmp1:
0xbc: {  	[sflag:s0] =	ssyncset.done $0x0;
	(pc) =	sbr.rel @p0 .LBB2_1-.Ltmp1, $4  }
0xbd: {  	[sflag:s0] =	ssyncadd.s32 $0xFFFF6000  }
0xbe: {  	_ =	swait.ge [sflag:s1], $0xA000  }
0xbf: {  	[sflag:s1] =	ssyncset.done $0x0  }
0xc0: {  	[sflag:s1] =	ssyncadd.s32 $0xFFFF6000  }
0xc1: {  	_ =	sfence.sel $0x180000  }
0xc2: {  	[bflag:$0x0] =	sbarrier.arrive $0xFFFF  }
0xc3: {  	_ =	strace $0x90000047  }
0xc4: {  	s0 =	stileid.u32;
	[bflag:$0x2] =	sbarrier.arrive $0xFFFF  }
0xc5: {  	p0 =	sne.s32 s0, $0x0;
	s0 =	rddreg [dreg:$0x3]  }
0xc6: {  	s0 =	sadd.s32 @!p0 $0x100000, s0  }
0xc7: {  	[sflag:s0] =	ssyncadd.tile.s32 @!p0 $0x1;
	_ =	shalt  }
.Lfunc_end2:
_tile_overlayer_lowered:
.L_overlay_start_2:
0xc8: {  	(tag) =	ssettag $0x2  }
0xc9: {  	s0 =	rddreg [dreg:$0x0];
	s2 =	stileid.u32  }
0xca: {  	s1 =	rddreg [dreg:$0x1];
	p0 =	sne.s32 s2, $0x0  }
0xcb: {  	s3 =	rddreg [dreg:$0x2];
	[bflag:$0x3] =	sbarrier.arrive $0xFFFF;
	s2 =	simm.s32 @!p0 $0x1C04  }
0xcc: {  	[timem:s3], [sflag:s2] =	dma.local @!p0 [hbm:s0], s1  }
0xcd: {  	s0 =	simm.s32 @!p0 $0x4  }
0xce: {  	_ =	swait.ge @!p0 [sflag:s0], s1  }
0xcf: {  	s1 =	ssub.s32 @!p0 $0x0, s1;
	[sflag:s0] =	ssyncset.done @!p0 $0x0  }
0xd0: {  	[sflag:s0] =	ssyncadd.s32 @!p0 s1  }
0xd1: {  	[bflag:$0x3] =	sbarrier.arrive $0xFFFF  }
0xd2: {  	_ =	shalt  }

// kernel: sparse-core-data-format-call.cloned.1.call-start
scs
called_computation_lowered:
.L_overlay_start_0:
0x0: {  	s2 =	sld [smem:$0x3FD9]  }
0x1: {  	s3 =	sld [smem:$0x3FFE];
	_ =	sdelay $0x1  }
0x2: {  	s1 =	srdreg.scid  }
0x3: {  	s0 =	sand.u32 $0x1, s1  }
0x4: {  	s18 =	sshll.u32 s0, $0xA;
	s2 =	sadd.s32 s3, s2  }
0x5: {  	s2 =	sadd.s32 s2, s18  }
0x6: {  	[smem:$0x3FC6] =	sst s2  }
0x7: {  	_ = 	snop  }
0x8: {  	s2 =	sld [smem:$0x3FD0];
	(tm) =	ssettm $0x1  }
0x9: {  	s19 =	sld [smem:$0x3FFB];
	_ =	sdelay $0x3  }
0xa: {  	_ =	strace s19  }
0xb: {  	s3 =	sld [smem:$0x3FFC];
	_ =	sdelay $0x3  }
0xc: {  	_ =	strace s3  }
0xd: {  	s3 =	sld [smem:$0x3FFD];
	_ =	sdelay $0x3  }
0xe: {  	_ =	strace s3  }
0xf: {  	_ =	strace $0x8FFFFFFF  }
0x10: {  	s20 =	sld [smem:$0x3FDB];
	_ =	sdelay $0x1  }
0x11: {  	s4 =	simm.s32 $_scs_section_size  }
0x12: {  	s5 =	simm.s32 $_size__tile_overlayer_lowered;
	s6 =	simm.s32 $_tile_overlayer_lowered  }
0x13: {  	s23 =	simm.s32 $0x1BFF;
	s22 =	sshll.u32 s6, $0x1;
	s3 =	sadd.s32 s4, s20  }
0x14: {  	s7 =	simm.s32 $0x0;
	s21 =	sshll.u32 s5, $0x1;
	s5 =	sadd.s32 s22, s3  }
0x15: {  	[timem:s7], [sflag:s23] =	dma.local [hbm:s5], s21  }
0x16: {  	_ =	swait.ge [sflag:s23], s21  }
0x17: {  	s4 =	ssub.s32 $0x0, s21;
	[sflag:s23] =	ssyncset.done $0x0  }
0x18: {  	[sflag:s23] =	ssyncadd.s32 s4;
	_ =	sdelay $0x1  }
0x19: {  	s24 =	simm.s32 $0x1B8B  }
0x1a: {  	_ =	swait.ge [sflag:s24], $0x1  }
0x1b: {  	[sflag:s24] =	ssyncset.done $0x0  }
0x1c: {  	s26 =	simm.s32 $0x1B8E;
	s25 =	sld [smem:$0x3FFE];
	[sflag:s24] =	ssyncadd.s32 $0xFFFFFFFF  }
0x1d: {  	s27 =	simm.s32 $execute0_lowered;
	[smem:$0x3FD2] =	sst s26  }
0x1e: {  	s5 =	sshll.u32 s27, $0x1;
	_ =	strace $0x80000049;
	[dreg:$0x1] =	wrdreg $0xFFFFFFFF  }
0x1f: {  	s28 =	simm.s32 $_size_execute0_lowered;
	s3 =	sadd.s32 s3, s5;
	[dreg:$0x0] =	wrdreg $0x0  }
0x20: {  	s5 =	sshll.u32 s28, $0x1;
	[dreg:$0x2] =	wrdreg s3  }
0x21: {  	[dreg:$0x3] =	wrdreg s5  }
0x22: {  	[dreg:$0x4] =	wrdreg $0xC0  }
0x23: {  	_ =	task [dreg:s7], $0x5FFFF  }
0x24: {  	[dreg:$0x1] =	wrdreg $0xFFFFFFFF  }
0x25: {  	[dreg:$0x0] =	wrdreg $0x60  }
0x26: {  	[dreg:$0x2] =	wrdreg s25  }
0x27: {  	[dreg:$0x3] =	wrdreg s2  }
0x28: {  	[dreg:$0x4] =	wrdreg $0x9  }
0x29: {  	_ =	task.clear_ibuf [dreg:s7], $0x5FFFF;
	_ =	strace $0x90000049  }
0x2a: {  	s29 =	simm.s32 $0x9;
	_ =	strace $0x8000004B  }
0x2b: {  	_ =	swait.ge [sflag:s29], $0x1  }
0x2c: {  	[sflag:s29] =	ssyncadd.s32 $0xFFFFFFFF  }
0x2d: {  	_ =	strace $0x9000004B  }
0x2e: {  	_ =	sfence  }
0x2f: {  	s30 =	sld [smem:$0x0];
	_ =	sdelay $0x2  }
0x30: {  	s31 =	sshll.u32 s1, $0xD;
	s1 =	sshrl.u32 s1, $0x2  }
0x31: {  	s3 =	sand.u32 $0x4000, s31;
	s1 =	sadd.s32 s1, s30  }
0x32: {  	s0 =	sor.u32 s3, s0;
	s1 =	sshll.u32 s1, $0x11  }
0x33: {  	s0 =	sor.u32 s1, s0  }
0x34: {  	s0 =	sadd.s32 $0x8F2B, s0  }
0x35: {  	[sflag:s0] =	ssyncadd.remote.s32 $0x1  }
0x36: {  	_ =	sfence.sel $0xFFFF  }
0x37: {  	[dreg:$0x0] =	wrdreg $0xFFFFFFFF;
	(pc) =	sbr.abs _section_cstart, $3  }
0x38: {  	[dreg:$0x1] =	wrdreg $0xFFFFFFFF  }
0x39: {  	_ =	task.clear_ibuf [dreg:s7], $0x2FFFF;
	_ =	strace $0x9FFFFFFF  }
0x3a: {  	(tm) =	ssettm $0x7FFFFFFF  }
0x3b: {  	_ =	shalt  }
tec
execute0_lowered:
.L_overlay_start_1:
0x0: {  	(tag) =	ssettag $0x1  }
0x1: {  	s0 =	srdreg.scid  }
0x2: {  	s1 =	sshll.u32 s0, $0x4  }
0x3: {  	s4 =	rddreg [dreg:$0x0];
	s0 =	stileid.u32;
	s1 =	sand.u32 $0x10, s1  }
0x4: {  	s2 =	rddreg [dreg:$0x1];
	s7 =	simm.s32 $0x1;
	s1 =	sor.u32 s0, s1  }
0x5: {  	s8 =	simm.s32 $0x2;
	s11 =	simm.s32 $0x0;
	s3 =	sshll.u32 s1, $0x1  }
0x6: {  	s10 =	simm.s32 $0x0;
	s4 =	sadd.s32 $0x800, s4;
	s6 =	ssub.s32 $0x1900, s3  }
.Ltmp0:
0x7: {  	s1 =	rddreg [dreg:$0x2];
	s5 =	sand.u32 $0x3E, s6;
	(pc) =	sbr.rel .LBB1_1-.Ltmp0, $4  }
0x8: {  	_ =	strace $0x8000004A;
	s9 =	smov.u32 s3;
	p0 =	sne.s32 s5, $0x0  }
0x9: {  	s6 =	sshrl.u32 s6, $0x6;
	s5 =	simm.s32 $0x1;
	s7 =	simm.s32 @!p0 $0x0  }
0xa: {  	[sflag:s5] =	ssyncpa.u1 $0x0;
	p0 =	por $0x0, $0x0;
	s6 =	sadd.s32 s7, s6  }
0xb: {  	[sflag:s8] =	ssyncpa.u1 $0x0;
	s8 =	simm.s32 $0x0;
	s7 =	sadd.s32 $0x1, s6  }
.LBB1_7:
0xc: {  	s13 =	sadd.s32 $0x40, s9  }
0xd: {  	p2 =	sgt.s32 s13, $0x18FF  }
0xe: {  	s13 =	smov.u32 @p2 s3;
	p2 =	sne.s32 s10, s7  }
.Ltmp1:
0xf: {  	p1 =	slt.u32 s10, $0x2;
	(pc) =	sbr.rel @!p2 .LBB1_8-.Ltmp1, $4  }
0x10: {  	s12 =	simm.s32 @!p1 $0x2  }
0x11: {  	s14 =	sadd.s32 $0x1, s10;
	_ =	swait.ge @!p1 [sflag:s12], $0x4000  }
0x12: {  	s11 =	smov.u32 s9;
	p0 =	por !p0, !p0;
	[sflag:s12] =	ssyncset.done @!p1 $0x0  }
0x13: {  	s10 =	smov.u32 s14;
	s9 =	smov.u32 s13;
	[sflag:s12] =	ssyncadd.s32 @!p1 $0xFFFFC000  }
.LBB1_1:
0x14: {  	p1 =	sge.u32 s10, s6  }
0x15: {  	s31 =	sadd.s32 $0xFFFFFFFF, s10;
	s12 =	sxor.u32 @!p1 $0xFFFFFFFF, s10  }
0x16: {  	s13 =	sshll.u32 @!p1 s9, $0xB;
	s14 =	simm.s32 @!p1 $0x40;
	s12 =	sshll.u32 @!p1 s12, $0xE  }
0x17: {  	s15 =	simm.s32 @!p1 $0x80;
	s13 =	sadd.s32 @!p1 s4, s13;
	s12 =	sand.u32 @!p1 $0x4000, s12  }
0x18: {  	[tilespmem:s12], [sflag:$0x1] =	stream.strided.gather @!p1 [hbm4b:s13+s14], $0x4000, s15, s14, $0x38;
	[tilespmem:$0x10100] =	vst v63  }
0x19: {  	p1 =	sge.u32 s31, s6  }
.Ltmp2:
0x1a: {  	_ = 	snop;
	(pc) =	sbr.rel @p1 .LBB1_7-.Ltmp2, $1  }
0x1b: {  	_ =	sdelay $0x3  }
0x1c: {  	s12 =	simm.s32 $0x1;
	s14 =	sand.u32 $0x1, s10  }
0x1d: {  	_ =	swait.ge [sflag:s5], $0x4000;
	s12 =	simm.s32 @!p0 $0x0;
	s14 =	smul.u32 $0x10200, s14  }
0x1e: {  	p2 =	por $0x1, $0x1;
	[sflag:s5] =	ssyncset.done $0x0;
	s13 =	smul.u32 $0x10200, s12  }
0x1f: {  	s15 =	sshll.u32 s12, $0x10;
	[sflag:s5] =	ssyncadd.s32 $0xFFFFC000;
	s30 =	sshrl.u32 s14, $0x2  }
0x20: {  	s31 =	sshrl.u32 s15, $0x2;
	s15 =	simm.s32 $0x0;
	s13 =	sshrl.u32 s13, $0x2  }
0x21: {  	s12 =	sor.u32 $0x8000, s30;
	s14 =	sadd.s32 $0x20, s31;
	s13 =	sor.u32 $0x8000, s13  }
.LBB1_3:
0x22: {  	s16 =	sshll.u32 s15, $0xD  }
0x23: {  	s16 =	sand.u32 $0x3FFFE000, s16  }
0x24: {  	s18 =	sadd.s32 s16, s14  }
0x25: {  	s31 =	smul.u32 $0x8100, s15;
	v3 =	vld [tilespmem:s18+$0x10]  }
0x26: {  	v1 =	vld [tilespmem:s18+$0xFFFFFFF0]  }
0x27: {  	s15 =	sshra.s32 s31, $0x2;
	v0 =	vld [tilespmem:s18+$0x0]  }
0x28: {  	s15 =	sadd.s32 s15, s13;
	v2 =	vld [tilespmem:s18+$0xFFFFFFE0]  }
0x29: {  	s16 =	sadd.s32 $0x0, s15  }
0x2a: {  	p1 =	por p2, p2;
	s17 =	simm.s32 $0x4;
	s18 =	sadd.s32 $0x40, s18;
	[tilespmem:s16+$0x1830 ss:$0x81] =	vst.msk $0xffff, v3  }
.LBB1_4:
0x2b: {  	v3 =	vld [tilespmem:s18+$0x10];
	p2 =	sne.s32 s17, $0x1FC;
	[tilespmem:s16+$0x810 ss:$0x81] =	vst.msk $0xffff, v1;
	s19 =	smov.u32 s17;
	s17 =	sadd.s32 $0x4, s17  }
.Ltmp3:
0x2c: {  	v1 =	vld [tilespmem:s18+$0xFFFFFFF0];
	[tilespmem:s16+$0x1020 ss:$0x81] =	vst.msk $0xffff, v0;
	(pc) =	sbr.rel @p2 .LBB1_4-.Ltmp3, $4  }
0x2d: {  	v0 =	vld [tilespmem:s18+$0x0];
	[tilespmem:s16+$0x0 ss:$0x81] =	vst.msk $0xffff, v2  }
0x2e: {  	s16 =	sshra.s32 s19, $0x2;
	v2 =	vld [tilespmem:s18+$0xFFFFFFE0]  }
0x2f: {  	s16 =	sadd.s32 s16, s15  }
0x30: {  	s18 =	sadd.s32 $0x40, s18;
	[tilespmem:s16+$0x1830 ss:$0x81] =	vst.msk $0xffff, v3  }
.Ltmp4:
0x31: {  	(pc) =	sbr.rel @p1 .LBB1_3-.Ltmp4, $4  }
0x32: {  	_ = 	snop  }
0x33: {  	[tilespmem:s16+$0x810 ss:$0x81] =	vst.msk $0xffff, v1  }
0x34: {  	[tilespmem:s16+$0x1020 ss:$0x81] =	vst.msk $0xffff, v0  }
0x35: {  	s15 =	simm.s32 $0x1;
	p2 =	por $0x0, $0x0;
	[tilespmem:s16+$0x0 ss:$0x81] =	vst.msk $0xffff, v2  }
.Ltmp5:
0x36: {  	(pc) =	sbr.rel .LBB1_7-.Ltmp5, $4  }
0x37: {  	_ = 	snop  }
0x38: {  	s11 =	sshll.u32 s11, $0xA  }
0x39: {  	s11 =	sadd.s32 s2, s11  }
0x3a: {  	[hbm4b:s11+s8] =	stream.linear.scatter [tilespmem:s12], [sflag:$0x2], $0x4000, $0x20;
	[tilespmem:$0x10100] =	vst v63  }
.LBB1_8:
0x3b: {  	_ =	sfence.sel $0x180000  }
0x3c: {  	s2 =	simm.s32 $0x1;
	[bflag:$0x0] =	sbarrier.arrive $0xFFFF  }
0x3d: {  	s31 =	simm.s32 $0x2;
	[sflag:s2] =	ssyncpa.u1 $0x1  }
0x3e: {  	[sflag:s31] =	ssyncpa.u1 $0x1  }
0x3f: {  	p0 =	sne.s32 s0, $0x0;
	_ =	strace $0x9000004A  }
0x40: {  	s0 =	sadd.s32 @!p0 $0x100000, s1;
	[bflag:$0x2] =	sbarrier.arrive $0xFFFF  }
0x41: {  	[sflag:s0] =	ssyncadd.tile.s32 @!p0 $0x1;
	_ =	shalt  }
.Lfunc_end1:
_tile_overlayer_lowered:
.L_overlay_start_2:
0x42: {  	(tag) =	ssettag $0x2  }
0x43: {  	s0 =	rddreg [dreg:$0x0];
	s2 =	stileid.u32  }
0x44: {  	s1 =	rddreg [dreg:$0x1];
	p0 =	sne.s32 s2, $0x0  }
0x45: {  	s3 =	rddreg [dreg:$0x2];
	[bflag:$0x3] =	sbarrier.arrive $0xFFFF;
	s2 =	simm.s32 @!p0 $0x1C01  }
0x46: {  	[timem:s3], [sflag:s2] =	dma.local @!p0 [hbm:s0], s1  }
0x47: {  	s0 =	simm.s32 @!p0 $0x1  }
0x48: {  	_ =	swait.ge @!p0 [sflag:s0], s1  }
0x49: {  	s1 =	ssub.s32 @!p0 $0x0, s1;
	[sflag:s0] =	ssyncset.done @!p0 $0x0  }
0x4a: {  	[sflag:s0] =	ssyncadd.s32 @!p0 s1  }
0x4b: {  	[bflag:$0x3] =	sbarrier.arrive $0xFFFF  }
0x4c: {  	_ =	shalt  }

</sc_bundles>
